<compile_context>
chip_gen: v7x
topology: tpu7x:2x2x1
jax: 0.10.2.dev20260603
libtpu: 0.0.44.dev20260713+nightly
codegen_flags: <defaults>
</compile_context>

<pallas_src>
import functools

import jax
import jax.numpy as jnp
from jax import lax
from jax.experimental import pallas as pl
from jax.experimental.pallas import tpu as pltpu
from jax.experimental.pallas import tpu_sc as plsc

D_VECTOR = 256
N_DATA = 4096
N_SUB = 8
D_SUB = D_VECTOR // N_SUB
N_CLUSTERS = 256
N_CB = 64

BLK = 256
N_BLOCKS = N_DATA // BLK
CHUNK = 128

F32 = jnp.float32
I32 = jnp.int32


def _prep_body(x_ref, c_ref, xt_ref, labels_ref, pos_ref, counts_ref,
               offsets_ref, blk_cnt_ref, blk_list_ref):
    x = x_ref[...]
    xt = x.T
    xt_ref[...] = xt
    cent = c_ref[...]

    x_sq = jnp.sum(xt * xt, axis=1, keepdims=True)
    c_sq = jnp.sum(cent * cent, axis=0, keepdims=True)
    xc = lax.dot_general(x, cent, (((0,), (0,)), ((), ())),
                         preferred_element_type=F32)
    d2 = x_sq - 2.0 * xc + c_sq

    iota64 = lax.broadcasted_iota(I32, (N_DATA, N_CB), 1)
    rowmin = jnp.min(d2, axis=1, keepdims=True)
    labels = jnp.min(jnp.where(d2 == rowmin, iota64, N_CB), axis=1,
                     keepdims=True)
    labels_ref[...] = labels

    onehot = (iota64 == labels).astype(F32)

    r_i = lax.broadcasted_iota(I32, (CHUNK, CHUNK), 0)
    r_j = lax.broadcasted_iota(I32, (CHUNK, CHUNK), 1)
    tri = (r_j < r_i).astype(F32)
    run = jnp.zeros((1, N_CB), F32)
    ranks = []
    for c in range(N_DATA // CHUNK):
        oc = onehot[c * CHUNK:(c + 1) * CHUNK, :]
        cum_ex = lax.dot_general(tri, oc, (((1,), (0,)), ((), ())),
                                 preferred_element_type=F32) + run
        ranks.append(jnp.sum(cum_ex * oc, axis=1, keepdims=True))
        run = run + jnp.sum(oc, axis=0, keepdims=True)
    rank = jnp.concatenate(ranks, axis=0)
    counts = run

    u_i = lax.broadcasted_iota(I32, (N_CB, N_CB), 0)
    u_j = lax.broadcasted_iota(I32, (N_CB, N_CB), 1)
    upper = (u_i < u_j).astype(F32)
    offsets = lax.dot_general(counts, upper, (((1,), (0,)), ((), ())),
                              preferred_element_type=F32)

    posoff = lax.dot_general(onehot, offsets, (((1,), (1,)), ((), ())),
                             preferred_element_type=F32)
    pos_ref[...] = (rank + posoff).astype(I32)
    counts_ref[...] = counts.astype(I32)
    offsets_ref[...] = offsets.astype(I32)

    bstart = lax.broadcasted_iota(I32, (N_BLOCKS, 1), 0).astype(F32) \
        * float(BLK)
    present = jnp.logical_and(
        counts > 0.5,
        jnp.logical_and(offsets < bstart + float(BLK),
                        offsets + counts > bstart)).astype(F32)
    blk_cnt_ref[...] = jnp.sum(present, axis=1, keepdims=True).astype(I32)
    rank_ex = lax.dot_general(present, upper, (((1,), (0,)), ((), ())),
                              preferred_element_type=F32)
    lab_row = lax.broadcasted_iota(I32, (N_BLOCKS, N_CB, 1), 1).astype(F32)
    sel = (rank_ex[:, :, None] ==
           lax.broadcasted_iota(I32, (N_BLOCKS, N_CB, N_CB), 2).astype(F32))
    blk_list_ref[...] = jnp.sum(
        jnp.where(sel, present[:, :, None] * lab_row, 0.0), axis=1
    ).astype(I32)


def _run_prep(x, selector_centroids, interpret=False):
    return pl.pallas_call(
        _prep_body,
        out_shape=[
            jax.ShapeDtypeStruct((N_DATA, D_VECTOR), F32),
            jax.ShapeDtypeStruct((N_DATA, 1), I32),
            jax.ShapeDtypeStruct((N_DATA, 1), I32),
            jax.ShapeDtypeStruct((1, N_CB), I32),
            jax.ShapeDtypeStruct((1, N_CB), I32),
            jax.ShapeDtypeStruct((N_BLOCKS, 1), I32),
            jax.ShapeDtypeStruct((N_BLOCKS, N_CB), I32),
        ],
        interpret=interpret,
    )(x, selector_centroids)


def _adc_body(counts_sm, offsets_sm, blk_cnt_sm, blk_list_sm, xs_ref, cb_hbm,
              out_ref, cb_vmem, sem):
    b = pl.program_id(0)
    start = b * BLK
    xsb = xs_ref[...]
    q = lax.broadcasted_iota(I32, (BLK, 1), 0) + start
    nb = blk_cnt_sm[0, 0, 0]

    def dma(j, slot):
        return pltpu.make_async_copy(cb_hbm.at[blk_list_sm[0, 0, j]],
                                     cb_vmem.at[slot], sem.at[slot])

    dma(0, 0).start()

    def visit(j, carry):
        slot = lax.rem(j, 2)

        @pl.when(j + 1 < nb)
        def _():
            dma(j + 1, 1 - slot).start()

        dma(j, slot).wait()
        l = blk_list_sm[0, 0, j]
        o = offsets_sm[0, l]
        cnt = counts_sm[0, l]
        mask = jnp.logical_and(q >= o, q < o + cnt)
        for m in range(N_SUB):
            xm = xsb[:, m * D_SUB:(m + 1) * D_SUB]
            cbm = cb_vmem[slot, m]
            dot = lax.dot_general(xm, cbm, (((1,), (0,)), ((), ())),
                                  preferred_element_type=F32)
            sxq = jnp.sum(xm * xm, axis=1, keepdims=True)
            cbq = jnp.sum(cbm * cbm, axis=0, keepdims=True)
            sim = 2.0 * dot - sxq - cbq
            out_ref[m] = jnp.where(mask, sim, out_ref[m])
        return carry

    lax.fori_loop(0, nb, visit, 0)


def _run_adc(counts, offsets, blk_cnt, blk_list, xs, codebook,
             interpret=False):
    return pl.pallas_call(
        _adc_body,
        grid=(N_BLOCKS,),
        in_specs=[
            pl.BlockSpec(memory_space=pltpu.MemorySpace.SMEM),
            pl.BlockSpec(memory_space=pltpu.MemorySpace.SMEM),
            pl.BlockSpec((1, 1, 1), lambda b: (b, 0, 0),
                         memory_space=pltpu.MemorySpace.SMEM),
            pl.BlockSpec((1, 1, N_CB), lambda b: (b, 0, 0),
                         memory_space=pltpu.MemorySpace.SMEM),
            pl.BlockSpec((BLK, D_VECTOR), lambda b: (b, 0)),
            pl.BlockSpec(memory_space=pltpu.MemorySpace.HBM),
        ],
        out_shape=jax.ShapeDtypeStruct((N_SUB, N_DATA, N_CLUSTERS), F32),
        out_specs=pl.BlockSpec((N_SUB, BLK, N_CLUSTERS), lambda b: (0, b, 0)),
        scratch_shapes=[
            pltpu.VMEM((2, N_SUB, D_SUB, N_CLUSTERS), F32),
            pltpu.SemaphoreType.DMA((2,)),
        ],
        interpret=interpret,
    )(counts, offsets, blk_cnt, blk_list, xs, codebook)


def _sc_sort_rows(xt, pos2):
    info = plsc.get_sparse_core_info()
    nw = info.num_cores * info.num_subcores
    rpw = N_DATA // nw
    mesh = plsc.VectorSubcoreMesh(core_axis_name="c", subcore_axis_name="s")

    @functools.partial(
        pl.kernel,
        out_type=jax.ShapeDtypeStruct((N_DATA, D_VECTOR), F32),
        mesh=mesh,
        scratch_types=[
            pltpu.VMEM((1, rpw), I32),
            pltpu.VMEM((rpw, D_VECTOR), F32),
            pltpu.SemaphoreType.DMA,
        ],
    )
    def k(xt_hbm, pos_hbm, xs_hbm, idx_v, rows_v, sem):
        wid = lax.axis_index("s") * info.num_cores + lax.axis_index("c")
        pltpu.sync_copy(pos_hbm.at[wid], idx_v.at[0])
        pltpu.sync_copy(xt_hbm.at[pl.ds(wid * rpw, rpw)], rows_v)
        pltpu.async_copy(rows_v, xs_hbm.at[idx_v.at[0]], sem).wait()

    return k(xt, pos2)


def _sc_unsort_rows(sorted_flat, srcidx3):
    rows = N_SUB * N_DATA
    info = plsc.get_sparse_core_info()
    nw = info.num_cores * info.num_subcores
    rpw = rows // nw
    nch = rpw // 128
    mesh = plsc.VectorSubcoreMesh(core_axis_name="c", subcore_axis_name="s")

    @functools.partial(
        pl.kernel,
        out_type=jax.ShapeDtypeStruct((rows, N_CLUSTERS), F32),
        mesh=mesh,
        scratch_types=[
            pltpu.VMEM((1, 128), I32),
            pltpu.VMEM((128, N_CLUSTERS), F32),
            pltpu.SemaphoreType.DMA,
        ],
    )
    def k(src_hbm, idx_hbm, out_hbm, idx_v, rows_v, sem):
        wid = lax.axis_index("s") * info.num_cores + lax.axis_index("c")

        def chunk(j, carry):
            pltpu.sync_copy(idx_hbm.at[wid, j], idx_v.at[0])
            pltpu.async_copy(src_hbm.at[idx_v.at[0]], rows_v, sem).wait()
            pltpu.sync_copy(rows_v,
                            out_hbm.at[pl.ds(wid * rpw + j * 128, 128)])
            return carry

        lax.fori_loop(0, nch, chunk, 0)

    return k(sorted_flat, srcidx3)


def kernel(x, codebook, selector_centroids):
    info = plsc.get_sparse_core_info()
    nw = info.num_cores * info.num_subcores

    (xt, labels2, pos2d, counts, offsets, blk_cnt,
     blk_list) = _run_prep(x, selector_centroids)

    pos = pos2d.reshape(N_DATA)
    xs = _sc_sort_rows(xt, pos.reshape(nw, N_DATA // nw))

    out_sorted = _run_adc(counts, offsets,
                          blk_cnt.reshape(N_BLOCKS, 1, 1),
                          blk_list.reshape(N_BLOCKS, 1, N_CB), xs, codebook)

    srcidx = (jnp.arange(N_SUB, dtype=I32)[:, None] * N_DATA
              + pos[None, :]).reshape(nw, (N_SUB * N_DATA) // nw // 128, 128)
    out_flat = _sc_unsort_rows(
        out_sorted.reshape(N_SUB * N_DATA, N_CLUSTERS), srcidx)

    return out_flat.reshape(N_SUB, N_DATA, N_CLUSTERS), labels2.reshape(N_DATA)

# --- scband reference (transcript-rebuilt; emitter-appended) ---
"""Pipeline reference for scband-mpq-48730698940485 (READ-ONLY COPY).

The authoritative reference and input builder live on the scoring server;
editing this copy changes nothing except your own understanding.
"""

import jax, jax.numpy as jnp
import numpy as np

D_VECTOR = 256
N_DATA = 4096
N_SUBVECTORS = 8
D_SUBVECTOR = D_VECTOR // N_SUBVECTORS
N_CLUSTERS = 256
N_CODEBOOKS = 64


def setup_inputs(seed: int = 0) -> dict:
    key = jax.random.key(seed)
    k1, k2, k3 = jax.random.split(key, 3)
    x = jax.random.normal(k1, (D_VECTOR, N_DATA), dtype=jnp.float32)
    # learned buffers: PQ codebook [n_codebooks, n_subvectors, d_subvector, n_clusters]
    codebook = jax.random.normal(k2, (N_CODEBOOKS, N_SUBVECTORS, D_SUBVECTOR, N_CLUSTERS), dtype=jnp.float32)
    # codebook_selector (KMeans) centroids [d_vector, n_codebooks]
    selector_centroids = jax.random.normal(k3, (D_VECTOR, N_CODEBOOKS), dtype=jnp.float32)
    return {"x": x, "codebook": codebook, "selector_centroids": selector_centroids}


def reference(x, codebook, selector_centroids):
    # Faithful JAX translation of MPQ.precompute_adc2(x, return_labels=True).
    # 1) codebook_selector.predict(x): nearest selector centroid per data column (euclidean).
    # 2) For each data point, compute ADC table: sim (negative squared euclidean)
    #    between its subvectors and the clusters of its assigned codebook.
    d_vector, n_data = x.shape
    n_codebooks, n_subvectors, d_subvector, n_clusters = codebook.shape

    # --- predict labels ---
    x_sq = jnp.sum(x * x, axis=0)  # [n_data]
    c_sq = jnpm = jnp.sum(selector_centroids * selector_centroids, axis=0)  # [n_codebooks]
    d2 = x_sq[:, None] - 2.0 * (x.T @ selector_centroids) + c_sq[None, :]  # [n_data, n_codebooks]
    labels = jnp.argmin(d2, axis=1)  # [n_data] int

    sub_x = x.reshape(n_subvectors, d_subvector, n_data)
    sub_x_sq = jnp.sum(sub_x * sub_x, axis=1)  # [n_subvectors, n_data]

    # loop over all codebooks with masked writes (static-shape analogue of the
    # per-unique-label loop in precompute_adc2)
    def body(acc, l):
        cb = codebook[l]  # [n_subvectors, d_subvector, n_clusters]
        dot = jnp.einsum('mdn,mdk->mnk', sub_x, cb)  # [m, n, k]
        cb_sq = jnp.sum(cb * cb, axis=1)  # [m, k]
        sim = -(sub_x_sq[:, :, None] - 2.0 * dot + cb_sq[:, None, :])  # neg sq euclid
        mask = (labels == l)[None, :, None]
        acc = jnp.where(mask, sim, acc)
        return acc, None

    init = jnp.zeros((n_subvectors, n_data, n_clusters), dtype=x.dtype)
    precomputed, _ = jax.lax.scan(body, init, jnp.arange(n_codebooks))
    return precomputed, labels

if __name__ == "__main__":
    import jax
    _d = setup_inputs()
    print(jax.jit(kernel)(*tuple(_d.values())))

</pallas_src>

<mosaic_0001>
#map = affine_map<(d0, d1) -> (0, 0)>
#map1 = affine_map<(d0, d1) -> (0, 0, 0)>
module attributes {stable_mosaic.version = 14 : i64} {
  func.func @k(%arg0: i32, %arg1: i32, %arg2: memref<32768x256xf32, #tpu.memory_space<hbm>>, %arg3: memref<32x8x128xi32, #tpu.memory_space<hbm>>, %arg4: memref<32768x256xf32, #tpu.memory_space<hbm>>, %arg5: memref<1x128xi32, #tpu.memory_space<vmem>>, %arg6: memref<128x256xf32, #tpu.memory_space<vmem>>, %arg7: memref<!tpu.dma_semaphore, #tpu.memory_space<semaphore_mem>>) attributes {dimension_semantics = [#tpu.dimension_semantics<core_parallel>, #tpu.dimension_semantics<subcore_parallel>], iteration_bounds = array<i64: 2, 16>, scalar_prefetch = 0 : i64, scratch_operands = 3 : i64, tpu.core_type = #tpu.core_type<sc_vector_subcore>, window_params = [{transform_indices = #map}, {transform_indices = #map1}, {transform_indices = #map}]} {
    %mul3A = arith.constant 2 : i32
    %mul3A_0 = arith.muli %arg1, %mul3A : i32
    %add3A = arith.addi %mul3A_0, %arg0 : i32
    %scan3A = arith.constant 0 : i32
    %scan3A_1 = arith.constant 0 : i32
    %scan3A_2 = arith.constant 8 : i32
    %scan3A_3 = arith.addi %scan3A_1, %scan3A_2 : i32
    %scan3A_4 = arith.constant 1 : i32
    scf.for %scan3A_6 = %scan3A_1 to %scan3A_3 step %scan3A_4  : i32 {
      %run_scoped3A = arith.constant 0 : i32
      "tpu.region"() ({
        %run_scoped3A_24 = tpu.sem_alloc : memref<!tpu.dma_semaphore, #tpu.memory_space<semaphore_mem>>
        %dma_start3A_25 = arith.constant 0 : i32
        %dma_start3A_26 = tpu.memref_slice %arg5[%run_scoped3A, %dma_start3A_25] : memref<1x128xi32, #tpu.memory_space<vmem>> -> memref<1x128xi32, #tpu.memory_space<vmem>>
        %dma_start3A_27 = tpu.memref_squeeze %dma_start3A_26 : memref<1x128xi32, #tpu.memory_space<vmem>> -> memref<128xi32, #tpu.memory_space<vmem>>
        %dma_start3A_28 = arith.constant 0 : i32
        %dma_start3A_29 = tpu.memref_slice %arg3[%add3A, %scan3A_6, %dma_start3A_28] : memref<32x8x128xi32, #tpu.memory_space<hbm>> -> memref<1x1x128xi32, #tpu.memory_space<hbm>>
        %dma_start3A_30 = tpu.memref_squeeze %dma_start3A_29 : memref<1x1x128xi32, #tpu.memory_space<hbm>> -> memref<128xi32, #tpu.memory_space<hbm>>
        %dma_start3A_31 = arith.constant 0 : i32
        %dma_start3A_32 = tpu.memref_slice %arg5[%run_scoped3A, %dma_start3A_31] : memref<1x128xi32, #tpu.memory_space<vmem>> -> memref<1x128xi32, #tpu.memory_space<vmem>>
        %dma_start3A_33 = tpu.memref_squeeze %dma_start3A_32 : memref<1x128xi32, #tpu.memory_space<vmem>> -> memref<128xi32, #tpu.memory_space<vmem>>
        %dma_start3A_34 = arith.constant 0 : i32
        %dma_start3A_35 = tpu.memref_slice %arg3[%add3A, %scan3A_6, %dma_start3A_34] : memref<32x8x128xi32, #tpu.memory_space<hbm>> -> memref<1x1x128xi32, #tpu.memory_space<hbm>>
        %dma_start3A_36 = tpu.memref_squeeze %dma_start3A_35 : memref<1x1x128xi32, #tpu.memory_space<hbm>> -> memref<128xi32, #tpu.memory_space<hbm>>
        tpu.enqueue_dma source(%dma_start3A_36 : memref<128xi32, #tpu.memory_space<hbm>>) target(%dma_start3A_33 : memref<128xi32, #tpu.memory_space<vmem>>) target_semaphore(%run_scoped3A_24 : memref<!tpu.dma_semaphore, #tpu.memory_space<semaphore_mem>>)
        %dma_wait3A_37 = arith.constant 0 : i32
        %dma_wait3A_38 = tpu.memref_slice %arg5[%run_scoped3A, %dma_wait3A_37] : memref<1x128xi32, #tpu.memory_space<vmem>> -> memref<1x128xi32, #tpu.memory_space<vmem>>
        %dma_wait3A_39 = tpu.memref_squeeze %dma_wait3A_38 : memref<1x128xi32, #tpu.memory_space<vmem>> -> memref<128xi32, #tpu.memory_space<vmem>>
        %dma_wait3A_40 = arith.constant 0 : i32
        %dma_wait3A_41 = tpu.memref_slice %arg3[%add3A, %scan3A_6, %dma_wait3A_40] : memref<32x8x128xi32, #tpu.memory_space<hbm>> -> memref<1x1x128xi32, #tpu.memory_space<hbm>>
        %dma_wait3A_42 = tpu.memref_squeeze %dma_wait3A_41 : memref<1x1x128xi32, #tpu.memory_space<hbm>> -> memref<128xi32, #tpu.memory_space<hbm>>
        %dma_wait3A_43 = arith.constant 0 : i32
        %dma_wait3A_44 = tpu.memref_slice %arg5[%run_scoped3A, %dma_wait3A_43] : memref<1x128xi32, #tpu.memory_space<vmem>> -> memref<1x128xi32, #tpu.memory_space<vmem>>
        %dma_wait3A_45 = tpu.memref_squeeze %dma_wait3A_44 : memref<1x128xi32, #tpu.memory_space<vmem>> -> memref<128xi32, #tpu.memory_space<vmem>>
        %dma_wait3A_46 = arith.constant 0 : i32
        %dma_wait3A_47 = tpu.memref_slice %arg3[%add3A, %scan3A_6, %dma_wait3A_46] : memref<32x8x128xi32, #tpu.memory_space<hbm>> -> memref<1x1x128xi32, #tpu.memory_space<hbm>>
        %dma_wait3A_48 = tpu.memref_squeeze %dma_wait3A_47 : memref<1x1x128xi32, #tpu.memory_space<hbm>> -> memref<128xi32, #tpu.memory_space<hbm>>
        tpu.wait_dma2 semaphore(%run_scoped3A_24 : memref<!tpu.dma_semaphore, #tpu.memory_space<semaphore_mem>>) src(%dma_wait3A_48 : memref<128xi32, #tpu.memory_space<hbm>>) dst(%dma_wait3A_45 : memref<128xi32, #tpu.memory_space<vmem>>)
        tpu.yield
      }) : () -> ()
      %dma_start3A = arith.constant 0 : i32
      %dma_start3A_7 = arith.constant 0 : i32
      %dma_start3A_8 = tpu.memref_slice %arg5[%dma_start3A, %dma_start3A_7] : memref<1x128xi32, #tpu.memory_space<vmem>> -> memref<1x128xi32, #tpu.memory_space<vmem>>
      %dma_start3A_9 = tpu.memref_squeeze %dma_start3A_8 : memref<1x128xi32, #tpu.memory_space<vmem>> -> memref<128xi32, #tpu.memory_space<vmem>>
      %dma_start3A_10 = arith.constant 0 : i32
      %dma_start3A_11 = arith.constant 0 : i32
      %dma_start3A_12 = tpu.memref_slice %arg2[%dma_start3A_10, %dma_start3A_11] : memref<32768x256xf32, #tpu.memory_space<hbm>> -> memref<32768x256xf32, #tpu.memory_space<hbm>>
      tpu.enqueue_indirect_dma source(%dma_start3A_12 : memref<32768x256xf32, #tpu.memory_space<hbm>>) target(%arg6 : memref<128x256xf32, #tpu.memory_space<vmem>>) offsets(%dma_start3A_9 : memref<128xi32, #tpu.memory_space<vmem>>) semaphore(%arg7 : memref<!tpu.dma_semaphore, #tpu.memory_space<semaphore_mem>>)
      %dma_wait3A = arith.constant 0 : i32
      %dma_wait3A_13 = arith.constant 0 : i32
      %dma_wait3A_14 = tpu.memref_slice %arg5[%dma_wait3A, %dma_wait3A_13] : memref<1x128xi32, #tpu.memory_space<vmem>> -> memref<1x128xi32, #tpu.memory_space<vmem>>
      %dma_wait3A_15 = tpu.memref_squeeze %dma_wait3A_14 : memref<1x128xi32, #tpu.memory_space<vmem>> -> memref<128xi32, #tpu.memory_space<vmem>>
      %dma_wait3A_16 = arith.constant 0 : i32
      %dma_wait3A_17 = arith.constant 0 : i32
      %dma_wait3A_18 = tpu.memref_slice %arg2[%dma_wait3A_16, %dma_wait3A_17] : memref<32768x256xf32, #tpu.memory_space<hbm>> -> memref<32768x256xf32, #tpu.memory_space<hbm>>
      tpu.wait_indirect_dma semaphore(%arg7 : memref<!tpu.dma_semaphore, #tpu.memory_space<semaphore_mem>>) src(%dma_wait3A_18 : memref<32768x256xf32, #tpu.memory_space<hbm>>) dst(%arg6 : memref<128x256xf32, #tpu.memory_space<vmem>>)
      %mul3A_19 = arith.constant 1024 : i32
      %mul3A_20 = arith.muli %add3A, %mul3A_19 : i32
      %mul3A_21 = arith.constant 128 : i32
      %mul3A_22 = arith.muli %scan3A_6, %mul3A_21 : i32
      %add3A_23 = arith.addi %mul3A_20, %mul3A_22 : i32
      "tpu.region"() ({
        %run_scoped3A_24 = tpu.sem_alloc : memref<!tpu.dma_semaphore, #tpu.memory_space<semaphore_mem>>
        %dma_start3A_25 = arith.constant 0 : i32
        %dma_start3A_26 = tpu.memref_slice %arg4[%add3A_23, %dma_start3A_25] : memref<32768x256xf32, #tpu.memory_space<hbm>> -> memref<128x256xf32, #tpu.memory_space<hbm>>
        %dma_start3A_27 = arith.constant 0 : i32
        %dma_start3A_28 = tpu.memref_slice %arg4[%add3A_23, %dma_start3A_27] : memref<32768x256xf32, #tpu.memory_space<hbm>> -> memref<128x256xf32, #tpu.memory_space<hbm>>
        tpu.enqueue_dma source(%arg6 : memref<128x256xf32, #tpu.memory_space<vmem>>) target(%dma_start3A_28 : memref<128x256xf32, #tpu.memory_space<hbm>>) target_semaphore(%run_scoped3A_24 : memref<!tpu.dma_semaphore, #tpu.memory_space<semaphore_mem>>)
        %dma_wait3A_29 = arith.constant 0 : i32
        %dma_wait3A_30 = tpu.memref_slice %arg4[%add3A_23, %dma_wait3A_29] : memref<32768x256xf32, #tpu.memory_space<hbm>> -> memref<128x256xf32, #tpu.memory_space<hbm>>
        %dma_wait3A_31 = arith.constant 0 : i32
        %dma_wait3A_32 = tpu.memref_slice %arg4[%add3A_23, %dma_wait3A_31] : memref<32768x256xf32, #tpu.memory_space<hbm>> -> memref<128x256xf32, #tpu.memory_space<hbm>>
        tpu.wait_dma2 semaphore(%run_scoped3A_24 : memref<!tpu.dma_semaphore, #tpu.memory_space<semaphore_mem>>) src(%arg6 : memref<128x256xf32, #tpu.memory_space<vmem>>) dst(%dma_wait3A_32 : memref<128x256xf32, #tpu.memory_space<hbm>>)
        tpu.yield
      }) : () -> ()
    }
    %scan3A_5 = arith.constant 8 : i32
    return
  }
}

#map = affine_map<(d0, d1) -> (0, 0)>
module attributes {stable_mosaic.version = 14 : i64} {
  func.func @k(%arg0: i32, %arg1: i32, %arg2: memref<4096x256xf32, #tpu.memory_space<hbm>>, %arg3: memref<32x128xi32, #tpu.memory_space<hbm>>, %arg4: memref<4096x256xf32, #tpu.memory_space<hbm>>, %arg5: memref<1x128xi32, #tpu.memory_space<vmem>>, %arg6: memref<128x256xf32, #tpu.memory_space<vmem>>, %arg7: memref<!tpu.dma_semaphore, #tpu.memory_space<semaphore_mem>>) attributes {dimension_semantics = [#tpu.dimension_semantics<core_parallel>, #tpu.dimension_semantics<subcore_parallel>], iteration_bounds = array<i64: 2, 16>, scalar_prefetch = 0 : i64, scratch_operands = 3 : i64, tpu.core_type = #tpu.core_type<sc_vector_subcore>, window_params = [{transform_indices = #map}, {transform_indices = #map}, {transform_indices = #map}]} {
    %mul3A = arith.constant 2 : i32
    %mul3A_0 = arith.muli %arg1, %mul3A : i32
    %add3A = arith.addi %mul3A_0, %arg0 : i32
    %run_scoped3A = arith.constant 0 : i32
    "tpu.region"() ({
      %run_scoped3A_15 = tpu.sem_alloc : memref<!tpu.dma_semaphore, #tpu.memory_space<semaphore_mem>>
      %dma_start3A_16 = arith.constant 0 : i32
      %dma_start3A_17 = tpu.memref_slice %arg5[%run_scoped3A, %dma_start3A_16] : memref<1x128xi32, #tpu.memory_space<vmem>> -> memref<1x128xi32, #tpu.memory_space<vmem>>
      %dma_start3A_18 = tpu.memref_squeeze %dma_start3A_17 : memref<1x128xi32, #tpu.memory_space<vmem>> -> memref<128xi32, #tpu.memory_space<vmem>>
      %dma_start3A_19 = arith.constant 0 : i32
      %dma_start3A_20 = tpu.memref_slice %arg3[%add3A, %dma_start3A_19] : memref<32x128xi32, #tpu.memory_space<hbm>> -> memref<1x128xi32, #tpu.memory_space<hbm>>
      %dma_start3A_21 = tpu.memref_squeeze %dma_start3A_20 : memref<1x128xi32, #tpu.memory_space<hbm>> -> memref<128xi32, #tpu.memory_space<hbm>>
      %dma_start3A_22 = arith.constant 0 : i32
      %dma_start3A_23 = tpu.memref_slice %arg5[%run_scoped3A, %dma_start3A_22] : memref<1x128xi32, #tpu.memory_space<vmem>> -> memref<1x128xi32, #tpu.memory_space<vmem>>
      %dma_start3A_24 = tpu.memref_squeeze %dma_start3A_23 : memref<1x128xi32, #tpu.memory_space<vmem>> -> memref<128xi32, #tpu.memory_space<vmem>>
      %dma_start3A_25 = arith.constant 0 : i32
      %dma_start3A_26 = tpu.memref_slice %arg3[%add3A, %dma_start3A_25] : memref<32x128xi32, #tpu.memory_space<hbm>> -> memref<1x128xi32, #tpu.memory_space<hbm>>
      %dma_start3A_27 = tpu.memref_squeeze %dma_start3A_26 : memref<1x128xi32, #tpu.memory_space<hbm>> -> memref<128xi32, #tpu.memory_space<hbm>>
      tpu.enqueue_dma source(%dma_start3A_27 : memref<128xi32, #tpu.memory_space<hbm>>) target(%dma_start3A_24 : memref<128xi32, #tpu.memory_space<vmem>>) target_semaphore(%run_scoped3A_15 : memref<!tpu.dma_semaphore, #tpu.memory_space<semaphore_mem>>)
      %dma_wait3A_28 = arith.constant 0 : i32
      %dma_wait3A_29 = tpu.memref_slice %arg5[%run_scoped3A, %dma_wait3A_28] : memref<1x128xi32, #tpu.memory_space<vmem>> -> memref<1x128xi32, #tpu.memory_space<vmem>>
      %dma_wait3A_30 = tpu.memref_squeeze %dma_wait3A_29 : memref<1x128xi32, #tpu.memory_space<vmem>> -> memref<128xi32, #tpu.memory_space<vmem>>
      %dma_wait3A_31 = arith.constant 0 : i32
      %dma_wait3A_32 = tpu.memref_slice %arg3[%add3A, %dma_wait3A_31] : memref<32x128xi32, #tpu.memory_space<hbm>> -> memref<1x128xi32, #tpu.memory_space<hbm>>
      %dma_wait3A_33 = tpu.memref_squeeze %dma_wait3A_32 : memref<1x128xi32, #tpu.memory_space<hbm>> -> memref<128xi32, #tpu.memory_space<hbm>>
      %dma_wait3A_34 = arith.constant 0 : i32
      %dma_wait3A_35 = tpu.memref_slice %arg5[%run_scoped3A, %dma_wait3A_34] : memref<1x128xi32, #tpu.memory_space<vmem>> -> memref<1x128xi32, #tpu.memory_space<vmem>>
      %dma_wait3A_36 = tpu.memref_squeeze %dma_wait3A_35 : memref<1x128xi32, #tpu.memory_space<vmem>> -> memref<128xi32, #tpu.memory_space<vmem>>
      %dma_wait3A_37 = arith.constant 0 : i32
      %dma_wait3A_38 = tpu.memref_slice %arg3[%add3A, %dma_wait3A_37] : memref<32x128xi32, #tpu.memory_space<hbm>> -> memref<1x128xi32, #tpu.memory_space<hbm>>
      %dma_wait3A_39 = tpu.memref_squeeze %dma_wait3A_38 : memref<1x128xi32, #tpu.memory_space<hbm>> -> memref<128xi32, #tpu.memory_space<hbm>>
      tpu.wait_dma2 semaphore(%run_scoped3A_15 : memref<!tpu.dma_semaphore, #tpu.memory_space<semaphore_mem>>) src(%dma_wait3A_39 : memref<128xi32, #tpu.memory_space<hbm>>) dst(%dma_wait3A_36 : memref<128xi32, #tpu.memory_space<vmem>>)
      tpu.yield
    }) : () -> ()
    %mul3A_1 = arith.constant 128 : i32
    %mul3A_2 = arith.muli %add3A, %mul3A_1 : i32
    "tpu.region"() ({
      %run_scoped3A_15 = tpu.sem_alloc : memref<!tpu.dma_semaphore, #tpu.memory_space<semaphore_mem>>
      %dma_start3A_16 = arith.constant 0 : i32
      %dma_start3A_17 = tpu.memref_slice %arg2[%mul3A_2, %dma_start3A_16] : memref<4096x256xf32, #tpu.memory_space<hbm>> -> memref<128x256xf32, #tpu.memory_space<hbm>>
      %dma_start3A_18 = arith.constant 0 : i32
      %dma_start3A_19 = tpu.memref_slice %arg2[%mul3A_2, %dma_start3A_18] : memref<4096x256xf32, #tpu.memory_space<hbm>> -> memref<128x256xf32, #tpu.memory_space<hbm>>
      tpu.enqueue_dma source(%dma_start3A_19 : memref<128x256xf32, #tpu.memory_space<hbm>>) target(%arg6 : memref<128x256xf32, #tpu.memory_space<vmem>>) target_semaphore(%run_scoped3A_15 : memref<!tpu.dma_semaphore, #tpu.memory_space<semaphore_mem>>)
      %dma_wait3A_20 = arith.constant 0 : i32
      %dma_wait3A_21 = tpu.memref_slice %arg2[%mul3A_2, %dma_wait3A_20] : memref<4096x256xf32, #tpu.memory_space<hbm>> -> memref<128x256xf32, #tpu.memory_space<hbm>>
      %dma_wait3A_22 = arith.constant 0 : i32
      %dma_wait3A_23 = tpu.memref_slice %arg2[%mul3A_2, %dma_wait3A_22] : memref<4096x256xf32, #tpu.memory_space<hbm>> -> memref<128x256xf32, #tpu.memory_space<hbm>>
      tpu.wait_dma2 semaphore(%run_scoped3A_15 : memref<!tpu.dma_semaphore, #tpu.memory_space<semaphore_mem>>) src(%dma_wait3A_23 : memref<128x256xf32, #tpu.memory_space<hbm>>) dst(%arg6 : memref<128x256xf32, #tpu.memory_space<vmem>>)
      tpu.yield
    }) : () -> ()
    %dma_start3A = arith.constant 0 : i32
    %dma_start3A_3 = arith.constant 0 : i32
    %dma_start3A_4 = tpu.memref_slice %arg5[%dma_start3A, %dma_start3A_3] : memref<1x128xi32, #tpu.memory_space<vmem>> -> memref<1x128xi32, #tpu.memory_space<vmem>>
    %dma_start3A_5 = tpu.memref_squeeze %dma_start3A_4 : memref<1x128xi32, #tpu.memory_space<vmem>> -> memref<128xi32, #tpu.memory_space<vmem>>
    %dma_start3A_6 = arith.constant 0 : i32
    %dma_start3A_7 = arith.constant 0 : i32
    %dma_start3A_8 = tpu.memref_slice %arg4[%dma_start3A_6, %dma_start3A_7] : memref<4096x256xf32, #tpu.memory_space<hbm>> -> memref<4096x256xf32, #tpu.memory_space<hbm>>
    tpu.enqueue_indirect_dma source(%arg6 : memref<128x256xf32, #tpu.memory_space<vmem>>) target(%dma_start3A_8 : memref<4096x256xf32, #tpu.memory_space<hbm>>) offsets(%dma_start3A_5 : memref<128xi32, #tpu.memory_space<vmem>>) semaphore(%arg7 : memref<!tpu.dma_semaphore, #tpu.memory_space<semaphore_mem>>)
    %dma_wait3A = arith.constant 0 : i32
    %dma_wait3A_9 = arith.constant 0 : i32
    %dma_wait3A_10 = tpu.memref_slice %arg5[%dma_wait3A, %dma_wait3A_9] : memref<1x128xi32, #tpu.memory_space<vmem>> -> memref<1x128xi32, #tpu.memory_space<vmem>>
    %dma_wait3A_11 = tpu.memref_squeeze %dma_wait3A_10 : memref<1x128xi32, #tpu.memory_space<vmem>> -> memref<128xi32, #tpu.memory_space<vmem>>
    %dma_wait3A_12 = arith.constant 0 : i32
    %dma_wait3A_13 = arith.constant 0 : i32
    %dma_wait3A_14 = tpu.memref_slice %arg4[%dma_wait3A_12, %dma_wait3A_13] : memref<4096x256xf32, #tpu.memory_space<hbm>> -> memref<4096x256xf32, #tpu.memory_space<hbm>>
    tpu.wait_indirect_dma semaphore(%arg7 : memref<!tpu.dma_semaphore, #tpu.memory_space<semaphore_mem>>) src(%arg6 : memref<128x256xf32, #tpu.memory_space<vmem>>) dst(%dma_wait3A_14 : memref<4096x256xf32, #tpu.memory_space<hbm>>)
    return
  }
}

module attributes {stable_mosaic.version = 14 : i64} {
  func.func @_prep_body(%arg0: memref<256x4096xf32, #tpu.memory_space<vmem>>, %arg1: memref<256x64xf32, #tpu.memory_space<vmem>>, %arg2: memref<4096x256xf32, #tpu.memory_space<vmem>>, %arg3: memref<4096x1xi32, #tpu.memory_space<vmem>>, %arg4: memref<4096x1xi32, #tpu.memory_space<vmem>>, %arg5: memref<1x64xi32, #tpu.memory_space<vmem>>, %arg6: memref<1x64xi32, #tpu.memory_space<vmem>>, %arg7: memref<16x1xi32, #tpu.memory_space<vmem>>, %arg8: memref<16x64xi32, #tpu.memory_space<vmem>>) attributes {dimension_semantics = [], scalar_prefetch = 0 : i64, scratch_operands = 0 : i64, tpu.core_type = #tpu.core_type<tc>} {
    %get3A = arith.constant 0 : index
    %get3A_0 = arith.constant 0 : index
    %get3A_1 = vector.load %arg0[%get3A, %get3A_0] : memref<256x4096xf32, #tpu.memory_space<vmem>>, vector<256x4096xf32>
    %transpose3A = tpu.transpose %get3A_1, [1, 0] : vector<256x4096xf32> -> vector<4096x256xf32>
    %swap3A = arith.constant 0 : index
    %swap3A_2 = arith.constant 0 : index
    %swap3A_3 = vector.load %arg2[%swap3A, %swap3A_2] : memref<4096x256xf32, #tpu.memory_space<vmem>>, vector<4096x256xf32>
    tpu.vector_store %arg2[%swap3A, %swap3A_2], %transpose3A {strides = array<i32>} : memref<4096x256xf32, #tpu.memory_space<vmem>>, vector<4096x256xf32>,
    %get3A_4 = arith.constant 0 : index
    %get3A_5 = arith.constant 0 : index
    %get3A_6 = vector.load %arg1[%get3A_4, %get3A_5] : memref<256x64xf32, #tpu.memory_space<vmem>>, vector<256x64xf32>
    %mul3A = arith.mulf %transpose3A, %transpose3A : vector<4096x256xf32>
    %reduce_sum3A = arith.constant dense<0.000000e+00> : vector<4096xf32>
    %reduce_sum3A_7 = vector.multi_reduction <add>, %mul3A, %reduce_sum3A [1] : vector<4096x256xf32> to vector<4096xf32>
    %broadcast_in_dim3A = vector.shape_cast %reduce_sum3A_7 : vector<4096xf32> to vector<4096x1xf32>
    %mul3A_8 = arith.mulf %get3A_6, %get3A_6 : vector<256x64xf32>
    %reduce_sum3A_9 = arith.constant dense<0.000000e+00> : vector<64xf32>
    %reduce_sum3A_10 = vector.multi_reduction <add>, %mul3A_8, %reduce_sum3A_9 [0] : vector<256x64xf32> to vector<64xf32>
    %broadcast_in_dim3A_11 = vector.shape_cast %reduce_sum3A_10 : vector<64xf32> to vector<1x64xf32>
    %dot_general3A = arith.constant dense<0.000000e+00> : vector<4096x64xf32>
    %dot_general3A_12 = tpu.matmul %get3A_1, %get3A_6, %dot_general3A {dimension_numbers = #tpu.dot_dimension_numbers<[0], [0], [1], [1], [0, 1, 1, 1], [], []>, transpose_lhs_hint = false} : vector<256x4096xf32>, vector<256x64xf32>, vector<4096x64xf32> -> vector<4096x64xf32>
    %mul3A_13 = arith.constant 2.000000e+00 : f32
    %mul3A_14 = vector.broadcast %mul3A_13 : f32 to vector<4096x64xf32>
    %mul3A_15 = arith.mulf %mul3A_14, %dot_general3A_12 : vector<4096x64xf32>
    %sub3A = vector.broadcast %broadcast_in_dim3A : vector<4096x1xf32> to vector<4096x64xf32>
    %sub3A_16 = arith.subf %sub3A, %mul3A_15 : vector<4096x64xf32>
    %add3A = vector.broadcast %broadcast_in_dim3A_11 : vector<1x64xf32> to vector<4096x64xf32>
    %add3A_17 = arith.addf %sub3A_16, %add3A : vector<4096x64xf32>
    %iota3A = tpu.iota {dimensions = array<i32: 1>} : vector<4096x64xi32>
    %reduce_min3A = arith.constant dense<0x7F800000> : vector<4096xf32>
    %reduce_min3A_18 = vector.multi_reduction <minimumf>, %add3A_17, %reduce_min3A [1] : vector<4096x64xf32> to vector<4096xf32>
    %broadcast_in_dim3A_19 = vector.shape_cast %reduce_min3A_18 : vector<4096xf32> to vector<4096x1xf32>
    %eq3A = vector.broadcast %broadcast_in_dim3A_19 : vector<4096x1xf32> to vector<4096x64xf32>
    %eq3A_20 = arith.cmpf oeq, %add3A_17, %eq3A : vector<4096x64xf32>
    %jit3A = arith.constant 64 : i32
    %broadcast_in_dim3A_21 = vector.broadcast %jit3A : i32 to vector<4096x64xi32>
    %select_n3A = arith.select %eq3A_20, %iota3A, %broadcast_in_dim3A_21 : vector<4096x64xi1>, vector<4096x64xi32>
    %reduce_min3A_22 = arith.constant dense<2147483647> : vector<4096xi32>
    %reduce_min3A_23 = vector.multi_reduction <minsi>, %select_n3A, %reduce_min3A_22 [1] : vector<4096x64xi32> to vector<4096xi32>
    %broadcast_in_dim3A_24 = vector.shape_cast %reduce_min3A_23 : vector<4096xi32> to vector<4096x1xi32>
    %swap3A_25 = arith.constant 0 : index
    %swap3A_26 = arith.constant 0 : index
    %swap3A_27 = vector.load %arg3[%swap3A_25, %swap3A_26] : memref<4096x1xi32, #tpu.memory_space<vmem>>, vector<4096x1xi32>
    tpu.vector_store %arg3[%swap3A_25, %swap3A_26], %broadcast_in_dim3A_24 {strides = array<i32>} : memref<4096x1xi32, #tpu.memory_space<vmem>>, vector<4096x1xi32>,
    %eq3A_28 = vector.broadcast %broadcast_in_dim3A_24 : vector<4096x1xi32> to vector<4096x64xi32>
    %eq3A_29 = arith.cmpi eq, %iota3A, %eq3A_28 : vector<4096x64xi32>
    %convert_element_type3A = arith.extui %eq3A_29 : vector<4096x64xi1> to vector<4096x64xi32>
    %convert_element_type3A_30 = arith.sitofp %convert_element_type3A : vector<4096x64xi32> to vector<4096x64xf32>
    %iota3A_31 = tpu.iota {dimensions = array<i32: 0>} : vector<128x128xi32>
    %iota3A_32 = tpu.iota {dimensions = array<i32: 1>} : vector<128x128xi32>
    %lt3A = arith.cmpi slt, %iota3A_32, %iota3A_31 : vector<128x128xi32>
    %convert_element_type3A_33 = arith.extui %lt3A : vector<128x128xi1> to vector<128x128xi32>
    %convert_element_type3A_34 = arith.sitofp %convert_element_type3A_33 : vector<128x128xi32> to vector<128x128xf32>
    %broadcast_in_dim3A_35 = arith.constant 0.000000e+00 : f32
    %broadcast_in_dim3A_36 = vector.broadcast %broadcast_in_dim3A_35 : f32 to vector<1x64xf32>
    %slice3A = vector.extract_strided_slice %convert_element_type3A_30 {offsets = [0, 0], sizes = [128, 64], strides = [1, 1]} : vector<4096x64xf32> to vector<128x64xf32>
    %dot_general3A_37 = arith.constant dense<0.000000e+00> : vector<128x64xf32>
    %dot_general3A_38 = tpu.matmul %convert_element_type3A_34, %slice3A, %dot_general3A_37 {dimension_numbers = #tpu.dot_dimension_numbers<[1], [0], [0], [1], [0, 0, 1, 1], [], []>, transpose_lhs_hint = false} : vector<128x128xf32>, vector<128x64xf32>, vector<128x64xf32> -> vector<128x64xf32>
    %add3A_39 = vector.broadcast %broadcast_in_dim3A_36 : vector<1x64xf32> to vector<128x64xf32>
    %add3A_40 = arith.addf %dot_general3A_38, %add3A_39 : vector<128x64xf32>
    %mul3A_41 = arith.mulf %add3A_40, %slice3A : vector<128x64xf32>
    %reduce_sum3A_42 = arith.constant dense<0.000000e+00> : vector<128xf32>
    %reduce_sum3A_43 = vector.multi_reduction <add>, %mul3A_41, %reduce_sum3A_42 [1] : vector<128x64xf32> to vector<128xf32>
    %broadcast_in_dim3A_44 = vector.shape_cast %reduce_sum3A_43 : vector<128xf32> to vector<128x1xf32>
    %reduce_sum3A_45 = arith.constant dense<0.000000e+00> : vector<64xf32>
    %reduce_sum3A_46 = vector.multi_reduction <add>, %slice3A, %reduce_sum3A_45 [0] : vector<128x64xf32> to vector<64xf32>
    %broadcast_in_dim3A_47 = vector.shape_cast %reduce_sum3A_46 : vector<64xf32> to vector<1x64xf32>
    %add3A_48 = arith.addf %broadcast_in_dim3A_36, %broadcast_in_dim3A_47 : vector<1x64xf32>
    %slice3A_49 = vector.extract_strided_slice %convert_element_type3A_30 {offsets = [128, 0], sizes = [128, 64], strides = [1, 1]} : vector<4096x64xf32> to vector<128x64xf32>
    %dot_general3A_50 = arith.constant dense<0.000000e+00> : vector<128x64xf32>
    %dot_general3A_51 = tpu.matmul %convert_element_type3A_34, %slice3A_49, %dot_general3A_50 {dimension_numbers = #tpu.dot_dimension_numbers<[1], [0], [0], [1], [0, 0, 1, 1], [], []>, transpose_lhs_hint = false} : vector<128x128xf32>, vector<128x64xf32>, vector<128x64xf32> -> vector<128x64xf32>
    %add3A_52 = vector.broadcast %add3A_48 : vector<1x64xf32> to vector<128x64xf32>
    %add3A_53 = arith.addf %dot_general3A_51, %add3A_52 : vector<128x64xf32>
    %mul3A_54 = arith.mulf %add3A_53, %slice3A_49 : vector<128x64xf32>
    %reduce_sum3A_55 = arith.constant dense<0.000000e+00> : vector<128xf32>
    %reduce_sum3A_56 = vector.multi_reduction <add>, %mul3A_54, %reduce_sum3A_55 [1] : vector<128x64xf32> to vector<128xf32>
    %broadcast_in_dim3A_57 = vector.shape_cast %reduce_sum3A_56 : vector<128xf32> to vector<128x1xf32>
    %reduce_sum3A_58 = arith.constant dense<0.000000e+00> : vector<64xf32>
    %reduce_sum3A_59 = vector.multi_reduction <add>, %slice3A_49, %reduce_sum3A_58 [0] : vector<128x64xf32> to vector<64xf32>
    %broadcast_in_dim3A_60 = vector.shape_cast %reduce_sum3A_59 : vector<64xf32> to vector<1x64xf32>
    %add3A_61 = arith.addf %add3A_48, %broadcast_in_dim3A_60 : vector<1x64xf32>
    %slice3A_62 = vector.extract_strided_slice %convert_element_type3A_30 {offsets = [256, 0], sizes = [128, 64], strides = [1, 1]} : vector<4096x64xf32> to vector<128x64xf32>
    %dot_general3A_63 = arith.constant dense<0.000000e+00> : vector<128x64xf32>
    %dot_general3A_64 = tpu.matmul %convert_element_type3A_34, %slice3A_62, %dot_general3A_63 {dimension_numbers = #tpu.dot_dimension_numbers<[1], [0], [0], [1], [0, 0, 1, 1], [], []>, transpose_lhs_hint = false} : vector<128x128xf32>, vector<128x64xf32>, vector<128x64xf32> -> vector<128x64xf32>
    %add3A_65 = vector.broadcast %add3A_61 : vector<1x64xf32> to vector<128x64xf32>
    %add3A_66 = arith.addf %dot_general3A_64, %add3A_65 : vector<128x64xf32>
    %mul3A_67 = arith.mulf %add3A_66, %slice3A_62 : vector<128x64xf32>
    %reduce_sum3A_68 = arith.constant dense<0.000000e+00> : vector<128xf32>
    %reduce_sum3A_69 = vector.multi_reduction <add>, %mul3A_67, %reduce_sum3A_68 [1] : vector<128x64xf32> to vector<128xf32>
    %broadcast_in_dim3A_70 = vector.shape_cast %reduce_sum3A_69 : vector<128xf32> to vector<128x1xf32>
    %reduce_sum3A_71 = arith.constant dense<0.000000e+00> : vector<64xf32>
    %reduce_sum3A_72 = vector.multi_reduction <add>, %slice3A_62, %reduce_sum3A_71 [0] : vector<128x64xf32> to vector<64xf32>
    %broadcast_in_dim3A_73 = vector.shape_cast %reduce_sum3A_72 : vector<64xf32> to vector<1x64xf32>
    %add3A_74 = arith.addf %add3A_61, %broadcast_in_dim3A_73 : vector<1x64xf32>
    %slice3A_75 = vector.extract_strided_slice %convert_element_type3A_30 {offsets = [384, 0], sizes = [128, 64], strides = [1, 1]} : vector<4096x64xf32> to vector<128x64xf32>
    %dot_general3A_76 = arith.constant dense<0.000000e+00> : vector<128x64xf32>
    %dot_general3A_77 = tpu.matmul %convert_element_type3A_34, %slice3A_75, %dot_general3A_76 {dimension_numbers = #tpu.dot_dimension_numbers<[1], [0], [0], [1], [0, 0, 1, 1], [], []>, transpose_lhs_hint = false} : vector<128x128xf32>, vector<128x64xf32>, vector<128x64xf32> -> vector<128x64xf32>
    %add3A_78 = vector.broadcast %add3A_74 : vector<1x64xf32> to vector<128x64xf32>
    %add3A_79 = arith.addf %dot_general3A_77, %add3A_78 : vector<128x64xf32>
    %mul3A_80 = arith.mulf %add3A_79, %slice3A_75 : vector<128x64xf32>
    %reduce_sum3A_81 = arith.constant dense<0.000000e+00> : vector<128xf32>
    %reduce_sum3A_82 = vector.multi_reduction <add>, %mul3A_80, %reduce_sum3A_81 [1] : vector<128x64xf32> to vector<128xf32>
    %broadcast_in_dim3A_83 = vector.shape_cast %reduce_sum3A_82 : vector<128xf32> to vector<128x1xf32>
    %reduce_sum3A_84 = arith.constant dense<0.000000e+00> : vector<64xf32>
    %reduce_sum3A_85 = vector.multi_reduction <add>, %slice3A_75, %reduce_sum3A_84 [0] : vector<128x64xf32> to vector<64xf32>
    %broadcast_in_dim3A_86 = vector.shape_cast %reduce_sum3A_85 : vector<64xf32> to vector<1x64xf32>
    %add3A_87 = arith.addf %add3A_74, %broadcast_in_dim3A_86 : vector<1x64xf32>
    %slice3A_88 = vector.extract_strided_slice %convert_element_type3A_30 {offsets = [512, 0], sizes = [128, 64], strides = [1, 1]} : vector<4096x64xf32> to vector<128x64xf32>
    %dot_general3A_89 = arith.constant dense<0.000000e+00> : vector<128x64xf32>
    %dot_general3A_90 = tpu.matmul %convert_element_type3A_34, %slice3A_88, %dot_general3A_89 {dimension_numbers = #tpu.dot_dimension_numbers<[1], [0], [0], [1], [0, 0, 1, 1], [], []>, transpose_lhs_hint = false} : vector<128x128xf32>, vector<128x64xf32>, vector<128x64xf32> -> vector<128x64xf32>
    %add3A_91 = vector.broadcast %add3A_87 : vector<1x64xf32> to vector<128x64xf32>
    %add3A_92 = arith.addf %dot_general3A_90, %add3A_91 : vector<128x64xf32>
    %mul3A_93 = arith.mulf %add3A_92, %slice3A_88 : vector<128x64xf32>
    %reduce_sum3A_94 = arith.constant dense<0.000000e+00> : vector<128xf32>
    %reduce_sum3A_95 = vector.multi_reduction <add>, %mul3A_93, %reduce_sum3A_94 [1] : vector<128x64xf32> to vector<128xf32>
    %broadcast_in_dim3A_96 = vector.shape_cast %reduce_sum3A_95 : vector<128xf32> to vector<128x1xf32>
    %reduce_sum3A_97 = arith.constant dense<0.000000e+00> : vector<64xf32>
    %reduce_sum3A_98 = vector.multi_reduction <add>, %slice3A_88, %reduce_sum3A_97 [0] : vector<128x64xf32> to vector<64xf32>
    %broadcast_in_dim3A_99 = vector.shape_cast %reduce_sum3A_98 : vector<64xf32> to vector<1x64xf32>
    %add3A_100 = arith.addf %add3A_87, %broadcast_in_dim3A_99 : vector<1x64xf32>
    %slice3A_101 = vector.extract_strided_slice %convert_element_type3A_30 {offsets = [640, 0], sizes = [128, 64], strides = [1, 1]} : vector<4096x64xf32> to vector<128x64xf32>
    %dot_general3A_102 = arith.constant dense<0.000000e+00> : vector<128x64xf32>
    %dot_general3A_103 = tpu.matmul %convert_element_type3A_34, %slice3A_101, %dot_general3A_102 {dimension_numbers = #tpu.dot_dimension_numbers<[1], [0], [0], [1], [0, 0, 1, 1], [], []>, transpose_lhs_hint = false} : vector<128x128xf32>, vector<128x64xf32>, vector<128x64xf32> -> vector<128x64xf32>
    %add3A_104 = vector.broadcast %add3A_100 : vector<1x64xf32> to vector<128x64xf32>
    %add3A_105 = arith.addf %dot_general3A_103, %add3A_104 : vector<128x64xf32>
    %mul3A_106 = arith.mulf %add3A_105, %slice3A_101 : vector<128x64xf32>
    %reduce_sum3A_107 = arith.constant dense<0.000000e+00> : vector<128xf32>
    %reduce_sum3A_108 = vector.multi_reduction <add>, %mul3A_106, %reduce_sum3A_107 [1] : vector<128x64xf32> to vector<128xf32>
    %broadcast_in_dim3A_109 = vector.shape_cast %reduce_sum3A_108 : vector<128xf32> to vector<128x1xf32>
    %reduce_sum3A_110 = arith.constant dense<0.000000e+00> : vector<64xf32>
    %reduce_sum3A_111 = vector.multi_reduction <add>, %slice3A_101, %reduce_sum3A_110 [0] : vector<128x64xf32> to vector<64xf32>
    %broadcast_in_dim3A_112 = vector.shape_cast %reduce_sum3A_111 : vector<64xf32> to vector<1x64xf32>
    %add3A_113 = arith.addf %add3A_100, %broadcast_in_dim3A_112 : vector<1x64xf32>
    %slice3A_114 = vector.extract_strided_slice %convert_element_type3A_30 {offsets = [768, 0], sizes = [128, 64], strides = [1, 1]} : vector<4096x64xf32> to vector<128x64xf32>
    %dot_general3A_115 = arith.constant dense<0.000000e+00> : vector<128x64xf32>
    %dot_general3A_116 = tpu.matmul %convert_element_type3A_34, %slice3A_114, %dot_general3A_115 {dimension_numbers = #tpu.dot_dimension_numbers<[1], [0], [0], [1], [0, 0, 1, 1], [], []>, transpose_lhs_hint = false} : vector<128x128xf32>, vector<128x64xf32>, vector<128x64xf32> -> vector<128x64xf32>
    %add3A_117 = vector.broadcast %add3A_113 : vector<1x64xf32> to vector<128x64xf32>
    %add3A_118 = arith.addf %dot_general3A_116, %add3A_117 : vector<128x64xf32>
    %mul3A_119 = arith.mulf %add3A_118, %slice3A_114 : vector<128x64xf32>
    %reduce_sum3A_120 = arith.constant dense<0.000000e+00> : vector<128xf32>
    %reduce_sum3A_121 = vector.multi_reduction <add>, %mul3A_119, %reduce_sum3A_120 [1] : vector<128x64xf32> to vector<128xf32>
    %broadcast_in_dim3A_122 = vector.shape_cast %reduce_sum3A_121 : vector<128xf32> to vector<128x1xf32>
    %reduce_sum3A_123 = arith.constant dense<0.000000e+00> : vector<64xf32>
    %reduce_sum3A_124 = vector.multi_reduction <add>, %slice3A_114, %reduce_sum3A_123 [0] : vector<128x64xf32> to vector<64xf32>
    %broadcast_in_dim3A_125 = vector.shape_cast %reduce_sum3A_124 : vector<64xf32> to vector<1x64xf32>
    %add3A_126 = arith.addf %add3A_113, %broadcast_in_dim3A_125 : vector<1x64xf32>
    %slice3A_127 = vector.extract_strided_slice %convert_element_type3A_30 {offsets = [896, 0], sizes = [128, 64], strides = [1, 1]} : vector<4096x64xf32> to vector<128x64xf32>
    %dot_general3A_128 = arith.constant dense<0.000000e+00> : vector<128x64xf32>
    %dot_general3A_129 = tpu.matmul %convert_element_type3A_34, %slice3A_127, %dot_general3A_128 {dimension_numbers = #tpu.dot_dimension_numbers<[1], [0], [0], [1], [0, 0, 1, 1], [], []>, transpose_lhs_hint = false} : vector<128x128xf32>, vector<128x64xf32>, vector<128x64xf32> -> vector<128x64xf32>
    %add3A_130 = vector.broadcast %add3A_126 : vector<1x64xf32> to vector<128x64xf32>
    %add3A_131 = arith.addf %dot_general3A_129, %add3A_130 : vector<128x64xf32>
    %mul3A_132 = arith.mulf %add3A_131, %slice3A_127 : vector<128x64xf32>
    %reduce_sum3A_133 = arith.constant dense<0.000000e+00> : vector<128xf32>
    %reduce_sum3A_134 = vector.multi_reduction <add>, %mul3A_132, %reduce_sum3A_133 [1] : vector<128x64xf32> to vector<128xf32>
    %broadcast_in_dim3A_135 = vector.shape_cast %reduce_sum3A_134 : vector<128xf32> to vector<128x1xf32>
    %reduce_sum3A_136 = arith.constant dense<0.000000e+00> : vector<64xf32>
    %reduce_sum3A_137 = vector.multi_reduction <add>, %slice3A_127, %reduce_sum3A_136 [0] : vector<128x64xf32> to vector<64xf32>
    %broadcast_in_dim3A_138 = vector.shape_cast %reduce_sum3A_137 : vector<64xf32> to vector<1x64xf32>
    %add3A_139 = arith.addf %add3A_126, %broadcast_in_dim3A_138 : vector<1x64xf32>
    %slice3A_140 = vector.extract_strided_slice %convert_element_type3A_30 {offsets = [1024, 0], sizes = [128, 64], strides = [1, 1]} : vector<4096x64xf32> to vector<128x64xf32>
    %dot_general3A_141 = arith.constant dense<0.000000e+00> : vector<128x64xf32>
    %dot_general3A_142 = tpu.matmul %convert_element_type3A_34, %slice3A_140, %dot_general3A_141 {dimension_numbers = #tpu.dot_dimension_numbers<[1], [0], [0], [1], [0, 0, 1, 1], [], []>, transpose_lhs_hint = false} : vector<128x128xf32>, vector<128x64xf32>, vector<128x64xf32> -> vector<128x64xf32>
    %add3A_143 = vector.broadcast %add3A_139 : vector<1x64xf32> to vector<128x64xf32>
    %add3A_144 = arith.addf %dot_general3A_142, %add3A_143 : vector<128x64xf32>
    %mul3A_145 = arith.mulf %add3A_144, %slice3A_140 : vector<128x64xf32>
    %reduce_sum3A_146 = arith.constant dense<0.000000e+00> : vector<128xf32>
    %reduce_sum3A_147 = vector.multi_reduction <add>, %mul3A_145, %reduce_sum3A_146 [1] : vector<128x64xf32> to vector<128xf32>
    %broadcast_in_dim3A_148 = vector.shape_cast %reduce_sum3A_147 : vector<128xf32> to vector<128x1xf32>
    %reduce_sum3A_149 = arith.constant dense<0.000000e+00> : vector<64xf32>
    %reduce_sum3A_150 = vector.multi_reduction <add>, %slice3A_140, %reduce_sum3A_149 [0] : vector<128x64xf32> to vector<64xf32>
    %broadcast_in_dim3A_151 = vector.shape_cast %reduce_sum3A_150 : vector<64xf32> to vector<1x64xf32>
    %add3A_152 = arith.addf %add3A_139, %broadcast_in_dim3A_151 : vector<1x64xf32>
    %slice3A_153 = vector.extract_strided_slice %convert_element_type3A_30 {offsets = [1152, 0], sizes = [128, 64], strides = [1, 1]} : vector<4096x64xf32> to vector<128x64xf32>
    %dot_general3A_154 = arith.constant dense<0.000000e+00> : vector<128x64xf32>
    %dot_general3A_155 = tpu.matmul %convert_element_type3A_34, %slice3A_153, %dot_general3A_154 {dimension_numbers = #tpu.dot_dimension_numbers<[1], [0], [0], [1], [0, 0, 1, 1], [], []>, transpose_lhs_hint = false} : vector<128x128xf32>, vector<128x64xf32>, vector<128x64xf32> -> vector<128x64xf32>
    %add3A_156 = vector.broadcast %add3A_152 : vector<1x64xf32> to vector<128x64xf32>
    %add3A_157 = arith.addf %dot_general3A_155, %add3A_156 : vector<128x64xf32>
    %mul3A_158 = arith.mulf %add3A_157, %slice3A_153 : vector<128x64xf32>
    %reduce_sum3A_159 = arith.constant dense<0.000000e+00> : vector<128xf32>
    %reduce_sum3A_160 = vector.multi_reduction <add>, %mul3A_158, %reduce_sum3A_159 [1] : vector<128x64xf32> to vector<128xf32>
    %broadcast_in_dim3A_161 = vector.shape_cast %reduce_sum3A_160 : vector<128xf32> to vector<128x1xf32>
    %reduce_sum3A_162 = arith.constant dense<0.000000e+00> : vector<64xf32>
    %reduce_sum3A_163 = vector.multi_reduction <add>, %slice3A_153, %reduce_sum3A_162 [0] : vector<128x64xf32> to vector<64xf32>
    %broadcast_in_dim3A_164 = vector.shape_cast %reduce_sum3A_163 : vector<64xf32> to vector<1x64xf32>
    %add3A_165 = arith.addf %add3A_152, %broadcast_in_dim3A_164 : vector<1x64xf32>
    %slice3A_166 = vector.extract_strided_slice %convert_element_type3A_30 {offsets = [1280, 0], sizes = [128, 64], strides = [1, 1]} : vector<4096x64xf32> to vector<128x64xf32>
    %dot_general3A_167 = arith.constant dense<0.000000e+00> : vector<128x64xf32>
    %dot_general3A_168 = tpu.matmul %convert_element_type3A_34, %slice3A_166, %dot_general3A_167 {dimension_numbers = #tpu.dot_dimension_numbers<[1], [0], [0], [1], [0, 0, 1, 1], [], []>, transpose_lhs_hint = false} : vector<128x128xf32>, vector<128x64xf32>, vector<128x64xf32> -> vector<128x64xf32>
    %add3A_169 = vector.broadcast %add3A_165 : vector<1x64xf32> to vector<128x64xf32>
    %add3A_170 = arith.addf %dot_general3A_168, %add3A_169 : vector<128x64xf32>
    %mul3A_171 = arith.mulf %add3A_170, %slice3A_166 : vector<128x64xf32>
    %reduce_sum3A_172 = arith.constant dense<0.000000e+00> : vector<128xf32>
    %reduce_sum3A_173 = vector.multi_reduction <add>, %mul3A_171, %reduce_sum3A_172 [1] : vector<128x64xf32> to vector<128xf32>
    %broadcast_in_dim3A_174 = vector.shape_cast %reduce_sum3A_173 : vector<128xf32> to vector<128x1xf32>
    %reduce_sum3A_175 = arith.constant dense<0.000000e+00> : vector<64xf32>
    %reduce_sum3A_176 = vector.multi_reduction <add>, %slice3A_166, %reduce_sum3A_175 [0] : vector<128x64xf32> to vector<64xf32>
    %broadcast_in_dim3A_177 = vector.shape_cast %reduce_sum3A_176 : vector<64xf32> to vector<1x64xf32>
    %add3A_178 = arith.addf %add3A_165, %broadcast_in_dim3A_177 : vector<1x64xf32>
    %slice3A_179 = vector.extract_strided_slice %convert_element_type3A_30 {offsets = [1408, 0], sizes = [128, 64], strides = [1, 1]} : vector<4096x64xf32> to vector<128x64xf32>
    %dot_general3A_180 = arith.constant dense<0.000000e+00> : vector<128x64xf32>
    %dot_general3A_181 = tpu.matmul %convert_element_type3A_34, %slice3A_179, %dot_general3A_180 {dimension_numbers = #tpu.dot_dimension_numbers<[1], [0], [0], [1], [0, 0, 1, 1], [], []>, transpose_lhs_hint = false} : vector<128x128xf32>, vector<128x64xf32>, vector<128x64xf32> -> vector<128x64xf32>
    %add3A_182 = vector.broadcast %add3A_178 : vector<1x64xf32> to vector<128x64xf32>
    %add3A_183 = arith.addf %dot_general3A_181, %add3A_182 : vector<128x64xf32>
    %mul3A_184 = arith.mulf %add3A_183, %slice3A_179 : vector<128x64xf32>
    %reduce_sum3A_185 = arith.constant dense<0.000000e+00> : vector<128xf32>
    %reduce_sum3A_186 = vector.multi_reduction <add>, %mul3A_184, %reduce_sum3A_185 [1] : vector<128x64xf32> to vector<128xf32>
    %broadcast_in_dim3A_187 = vector.shape_cast %reduce_sum3A_186 : vector<128xf32> to vector<128x1xf32>
    %reduce_sum3A_188 = arith.constant dense<0.000000e+00> : vector<64xf32>
    %reduce_sum3A_189 = vector.multi_reduction <add>, %slice3A_179, %reduce_sum3A_188 [0] : vector<128x64xf32> to vector<64xf32>
    %broadcast_in_dim3A_190 = vector.shape_cast %reduce_sum3A_189 : vector<64xf32> to vector<1x64xf32>
    %add3A_191 = arith.addf %add3A_178, %broadcast_in_dim3A_190 : vector<1x64xf32>
    %slice3A_192 = vector.extract_strided_slice %convert_element_type3A_30 {offsets = [1536, 0], sizes = [128, 64], strides = [1, 1]} : vector<4096x64xf32> to vector<128x64xf32>
    %dot_general3A_193 = arith.constant dense<0.000000e+00> : vector<128x64xf32>
    %dot_general3A_194 = tpu.matmul %convert_element_type3A_34, %slice3A_192, %dot_general3A_193 {dimension_numbers = #tpu.dot_dimension_numbers<[1], [0], [0], [1], [0, 0, 1, 1], [], []>, transpose_lhs_hint = false} : vector<128x128xf32>, vector<128x64xf32>, vector<128x64xf32> -> vector<128x64xf32>
    %add3A_195 = vector.broadcast %add3A_191 : vector<1x64xf32> to vector<128x64xf32>
    %add3A_196 = arith.addf %dot_general3A_194, %add3A_195 : vector<128x64xf32>
    %mul3A_197 = arith.mulf %add3A_196, %slice3A_192 : vector<128x64xf32>
    %reduce_sum3A_198 = arith.constant dense<0.000000e+00> : vector<128xf32>
    %reduce_sum3A_199 = vector.multi_reduction <add>, %mul3A_197, %reduce_sum3A_198 [1] : vector<128x64xf32> to vector<128xf32>
    %broadcast_in_dim3A_200 = vector.shape_cast %reduce_sum3A_199 : vector<128xf32> to vector<128x1xf32>
    %reduce_sum3A_201 = arith.constant dense<0.000000e+00> : vector<64xf32>
    %reduce_sum3A_202 = vector.multi_reduction <add>, %slice3A_192, %reduce_sum3A_201 [0] : vector<128x64xf32> to vector<64xf32>
    %broadcast_in_dim3A_203 = vector.shape_cast %reduce_sum3A_202 : vector<64xf32> to vector<1x64xf32>
    %add3A_204 = arith.addf %add3A_191, %broadcast_in_dim3A_203 : vector<1x64xf32>
    %slice3A_205 = vector.extract_strided_slice %convert_element_type3A_30 {offsets = [1664, 0], sizes = [128, 64], strides = [1, 1]} : vector<4096x64xf32> to vector<128x64xf32>
    %dot_general3A_206 = arith.constant dense<0.000000e+00> : vector<128x64xf32>
    %dot_general3A_207 = tpu.matmul %convert_element_type3A_34, %slice3A_205, %dot_general3A_206 {dimension_numbers = #tpu.dot_dimension_numbers<[1], [0], [0], [1], [0, 0, 1, 1], [], []>, transpose_lhs_hint = false} : vector<128x128xf32>, vector<128x64xf32>, vector<128x64xf32> -> vector<128x64xf32>
    %add3A_208 = vector.broadcast %add3A_204 : vector<1x64xf32> to vector<128x64xf32>
    %add3A_209 = arith.addf %dot_general3A_207, %add3A_208 : vector<128x64xf32>
    %mul3A_210 = arith.mulf %add3A_209, %slice3A_205 : vector<128x64xf32>
    %reduce_sum3A_211 = arith.constant dense<0.000000e+00> : vector<128xf32>
    %reduce_sum3A_212 = vector.multi_reduction <add>, %mul3A_210, %reduce_sum3A_211 [1] : vector<128x64xf32> to vector<128xf32>
    %broadcast_in_dim3A_213 = vector.shape_cast %reduce_sum3A_212 : vector<128xf32> to vector<128x1xf32>
    %reduce_sum3A_214 = arith.constant dense<0.000000e+00> : vector<64xf32>
    %reduce_sum3A_215 = vector.multi_reduction <add>, %slice3A_205, %reduce_sum3A_214 [0] : vector<128x64xf32> to vector<64xf32>
    %broadcast_in_dim3A_216 = vector.shape_cast %reduce_sum3A_215 : vector<64xf32> to vector<1x64xf32>
    %add3A_217 = arith.addf %add3A_204, %broadcast_in_dim3A_216 : vector<1x64xf32>
    %slice3A_218 = vector.extract_strided_slice %convert_element_type3A_30 {offsets = [1792, 0], sizes = [128, 64], strides = [1, 1]} : vector<4096x64xf32> to vector<128x64xf32>
    %dot_general3A_219 = arith.constant dense<0.000000e+00> : vector<128x64xf32>
    %dot_general3A_220 = tpu.matmul %convert_element_type3A_34, %slice3A_218, %dot_general3A_219 {dimension_numbers = #tpu.dot_dimension_numbers<[1], [0], [0], [1], [0, 0, 1, 1], [], []>, transpose_lhs_hint = false} : vector<128x128xf32>, vector<128x64xf32>, vector<128x64xf32> -> vector<128x64xf32>
    %add3A_221 = vector.broadcast %add3A_217 : vector<1x64xf32> to vector<128x64xf32>
    %add3A_222 = arith.addf %dot_general3A_220, %add3A_221 : vector<128x64xf32>
    %mul3A_223 = arith.mulf %add3A_222, %slice3A_218 : vector<128x64xf32>
    %reduce_sum3A_224 = arith.constant dense<0.000000e+00> : vector<128xf32>
    %reduce_sum3A_225 = vector.multi_reduction <add>, %mul3A_223, %reduce_sum3A_224 [1] : vector<128x64xf32> to vector<128xf32>
    %broadcast_in_dim3A_226 = vector.shape_cast %reduce_sum3A_225 : vector<128xf32> to vector<128x1xf32>
    %reduce_sum3A_227 = arith.constant dense<0.000000e+00> : vector<64xf32>
    %reduce_sum3A_228 = vector.multi_reduction <add>, %slice3A_218, %reduce_sum3A_227 [0] : vector<128x64xf32> to vector<64xf32>
    %broadcast_in_dim3A_229 = vector.shape_cast %reduce_sum3A_228 : vector<64xf32> to vector<1x64xf32>
    %add3A_230 = arith.addf %add3A_217, %broadcast_in_dim3A_229 : vector<1x64xf32>
    %slice3A_231 = vector.extract_strided_slice %convert_element_type3A_30 {offsets = [1920, 0], sizes = [128, 64], strides = [1, 1]} : vector<4096x64xf32> to vector<128x64xf32>
    %dot_general3A_232 = arith.constant dense<0.000000e+00> : vector<128x64xf32>
    %dot_general3A_233 = tpu.matmul %convert_element_type3A_34, %slice3A_231, %dot_general3A_232 {dimension_numbers = #tpu.dot_dimension_numbers<[1], [0], [0], [1], [0, 0, 1, 1], [], []>, transpose_lhs_hint = false} : vector<128x128xf32>, vector<128x64xf32>, vector<128x64xf32> -> vector<128x64xf32>
    %add3A_234 = vector.broadcast %add3A_230 : vector<1x64xf32> to vector<128x64xf32>
    %add3A_235 = arith.addf %dot_general3A_233, %add3A_234 : vector<128x64xf32>
    %mul3A_236 = arith.mulf %add3A_235, %slice3A_231 : vector<128x64xf32>
    %reduce_sum3A_237 = arith.constant dense<0.000000e+00> : vector<128xf32>
    %reduce_sum3A_238 = vector.multi_reduction <add>, %mul3A_236, %reduce_sum3A_237 [1] : vector<128x64xf32> to vector<128xf32>
    %broadcast_in_dim3A_239 = vector.shape_cast %reduce_sum3A_238 : vector<128xf32> to vector<128x1xf32>
    %reduce_sum3A_240 = arith.constant dense<0.000000e+00> : vector<64xf32>
    %reduce_sum3A_241 = vector.multi_reduction <add>, %slice3A_231, %reduce_sum3A_240 [0] : vector<128x64xf32> to vector<64xf32>
    %broadcast_in_dim3A_242 = vector.shape_cast %reduce_sum3A_241 : vector<64xf32> to vector<1x64xf32>
    %add3A_243 = arith.addf %add3A_230, %broadcast_in_dim3A_242 : vector<1x64xf32>
    %slice3A_244 = vector.extract_strided_slice %convert_element_type3A_30 {offsets = [2048, 0], sizes = [128, 64], strides = [1, 1]} : vector<4096x64xf32> to vector<128x64xf32>
    %dot_general3A_245 = arith.constant dense<0.000000e+00> : vector<128x64xf32>
    %dot_general3A_246 = tpu.matmul %convert_element_type3A_34, %slice3A_244, %dot_general3A_245 {dimension_numbers = #tpu.dot_dimension_numbers<[1], [0], [0], [1], [0, 0, 1, 1], [], []>, transpose_lhs_hint = false} : vector<128x128xf32>, vector<128x64xf32>, vector<128x64xf32> -> vector<128x64xf32>
    %add3A_247 = vector.broadcast %add3A_243 : vector<1x64xf32> to vector<128x64xf32>
    %add3A_248 = arith.addf %dot_general3A_246, %add3A_247 : vector<128x64xf32>
    %mul3A_249 = arith.mulf %add3A_248, %slice3A_244 : vector<128x64xf32>
    %reduce_sum3A_250 = arith.constant dense<0.000000e+00> : vector<128xf32>
    %reduce_sum3A_251 = vector.multi_reduction <add>, %mul3A_249, %reduce_sum3A_250 [1] : vector<128x64xf32> to vector<128xf32>
    %broadcast_in_dim3A_252 = vector.shape_cast %reduce_sum3A_251 : vector<128xf32> to vector<128x1xf32>
    %reduce_sum3A_253 = arith.constant dense<0.000000e+00> : vector<64xf32>
    %reduce_sum3A_254 = vector.multi_reduction <add>, %slice3A_244, %reduce_sum3A_253 [0] : vector<128x64xf32> to vector<64xf32>
    %broadcast_in_dim3A_255 = vector.shape_cast %reduce_sum3A_254 : vector<64xf32> to vector<1x64xf32>
    %add3A_256 = arith.addf %add3A_243, %broadcast_in_dim3A_255 : vector<1x64xf32>
    %slice3A_257 = vector.extract_strided_slice %convert_element_type3A_30 {offsets = [2176, 0], sizes = [128, 64], strides = [1, 1]} : vector<4096x64xf32> to vector<128x64xf32>
    %dot_general3A_258 = arith.constant dense<0.000000e+00> : vector<128x64xf32>
    %dot_general3A_259 = tpu.matmul %convert_element_type3A_34, %slice3A_257, %dot_general3A_258 {dimension_numbers = #tpu.dot_dimension_numbers<[1], [0], [0], [1], [0, 0, 1, 1], [], []>, transpose_lhs_hint = false} : vector<128x128xf32>, vector<128x64xf32>, vector<128x64xf32> -> vector<128x64xf32>
    %add3A_260 = vector.broadcast %add3A_256 : vector<1x64xf32> to vector<128x64xf32>
    %add3A_261 = arith.addf %dot_general3A_259, %add3A_260 : vector<128x64xf32>
    %mul3A_262 = arith.mulf %add3A_261, %slice3A_257 : vector<128x64xf32>
    %reduce_sum3A_263 = arith.constant dense<0.000000e+00> : vector<128xf32>
    %reduce_sum3A_264 = vector.multi_reduction <add>, %mul3A_262, %reduce_sum3A_263 [1] : vector<128x64xf32> to vector<128xf32>
    %broadcast_in_dim3A_265 = vector.shape_cast %reduce_sum3A_264 : vector<128xf32> to vector<128x1xf32>
    %reduce_sum3A_266 = arith.constant dense<0.000000e+00> : vector<64xf32>
    %reduce_sum3A_267 = vector.multi_reduction <add>, %slice3A_257, %reduce_sum3A_266 [0] : vector<128x64xf32> to vector<64xf32>
    %broadcast_in_dim3A_268 = vector.shape_cast %reduce_sum3A_267 : vector<64xf32> to vector<1x64xf32>
    %add3A_269 = arith.addf %add3A_256, %broadcast_in_dim3A_268 : vector<1x64xf32>
    %slice3A_270 = vector.extract_strided_slice %convert_element_type3A_30 {offsets = [2304, 0], sizes = [128, 64], strides = [1, 1]} : vector<4096x64xf32> to vector<128x64xf32>
    %dot_general3A_271 = arith.constant dense<0.000000e+00> : vector<128x64xf32>
    %dot_general3A_272 = tpu.matmul %convert_element_type3A_34, %slice3A_270, %dot_general3A_271 {dimension_numbers = #tpu.dot_dimension_numbers<[1], [0], [0], [1], [0, 0, 1, 1], [], []>, transpose_lhs_hint = false} : vector<128x128xf32>, vector<128x64xf32>, vector<128x64xf32> -> vector<128x64xf32>
    %add3A_273 = vector.broadcast %add3A_269 : vector<1x64xf32> to vector<128x64xf32>
    %add3A_274 = arith.addf %dot_general3A_272, %add3A_273 : vector<128x64xf32>
    %mul3A_275 = arith.mulf %add3A_274, %slice3A_270 : vector<128x64xf32>
    %reduce_sum3A_276 = arith.constant dense<0.000000e+00> : vector<128xf32>
    %reduce_sum3A_277 = vector.multi_reduction <add>, %mul3A_275, %reduce_sum3A_276 [1] : vector<128x64xf32> to vector<128xf32>
    %broadcast_in_dim3A_278 = vector.shape_cast %reduce_sum3A_277 : vector<128xf32> to vector<128x1xf32>
    %reduce_sum3A_279 = arith.constant dense<0.000000e+00> : vector<64xf32>
    %reduce_sum3A_280 = vector.multi_reduction <add>, %slice3A_270, %reduce_sum3A_279 [0] : vector<128x64xf32> to vector<64xf32>
    %broadcast_in_dim3A_281 = vector.shape_cast %reduce_sum3A_280 : vector<64xf32> to vector<1x64xf32>
    %add3A_282 = arith.addf %add3A_269, %broadcast_in_dim3A_281 : vector<1x64xf32>
    %slice3A_283 = vector.extract_strided_slice %convert_element_type3A_30 {offsets = [2432, 0], sizes = [128, 64], strides = [1, 1]} : vector<4096x64xf32> to vector<128x64xf32>
    %dot_general3A_284 = arith.constant dense<0.000000e+00> : vector<128x64xf32>
    %dot_general3A_285 = tpu.matmul %convert_element_type3A_34, %slice3A_283, %dot_general3A_284 {dimension_numbers = #tpu.dot_dimension_numbers<[1], [0], [0], [1], [0, 0, 1, 1], [], []>, transpose_lhs_hint = false} : vector<128x128xf32>, vector<128x64xf32>, vector<128x64xf32> -> vector<128x64xf32>
    %add3A_286 = vector.broadcast %add3A_282 : vector<1x64xf32> to vector<128x64xf32>
    %add3A_287 = arith.addf %dot_general3A_285, %add3A_286 : vector<128x64xf32>
    %mul3A_288 = arith.mulf %add3A_287, %slice3A_283 : vector<128x64xf32>
    %reduce_sum3A_289 = arith.constant dense<0.000000e+00> : vector<128xf32>
    %reduce_sum3A_290 = vector.multi_reduction <add>, %mul3A_288, %reduce_sum3A_289 [1] : vector<128x64xf32> to vector<128xf32>
    %broadcast_in_dim3A_291 = vector.shape_cast %reduce_sum3A_290 : vector<128xf32> to vector<128x1xf32>
    %reduce_sum3A_292 = arith.constant dense<0.000000e+00> : vector<64xf32>
    %reduce_sum3A_293 = vector.multi_reduction <add>, %slice3A_283, %reduce_sum3A_292 [0] : vector<128x64xf32> to vector<64xf32>
    %broadcast_in_dim3A_294 = vector.shape_cast %reduce_sum3A_293 : vector<64xf32> to vector<1x64xf32>
    %add3A_295 = arith.addf %add3A_282, %broadcast_in_dim3A_294 : vector<1x64xf32>
    %slice3A_296 = vector.extract_strided_slice %convert_element_type3A_30 {offsets = [2560, 0], sizes = [128, 64], strides = [1, 1]} : vector<4096x64xf32> to vector<128x64xf32>
    %dot_general3A_297 = arith.constant dense<0.000000e+00> : vector<128x64xf32>
    %dot_general3A_298 = tpu.matmul %convert_element_type3A_34, %slice3A_296, %dot_general3A_297 {dimension_numbers = #tpu.dot_dimension_numbers<[1], [0], [0], [1], [0, 0, 1, 1], [], []>, transpose_lhs_hint = false} : vector<128x128xf32>, vector<128x64xf32>, vector<128x64xf32> -> vector<128x64xf32>
    %add3A_299 = vector.broadcast %add3A_295 : vector<1x64xf32> to vector<128x64xf32>
    %add3A_300 = arith.addf %dot_general3A_298, %add3A_299 : vector<128x64xf32>
    %mul3A_301 = arith.mulf %add3A_300, %slice3A_296 : vector<128x64xf32>
    %reduce_sum3A_302 = arith.constant dense<0.000000e+00> : vector<128xf32>
    %reduce_sum3A_303 = vector.multi_reduction <add>, %mul3A_301, %reduce_sum3A_302 [1] : vector<128x64xf32> to vector<128xf32>
    %broadcast_in_dim3A_304 = vector.shape_cast %reduce_sum3A_303 : vector<128xf32> to vector<128x1xf32>
    %reduce_sum3A_305 = arith.constant dense<0.000000e+00> : vector<64xf32>
    %reduce_sum3A_306 = vector.multi_reduction <add>, %slice3A_296, %reduce_sum3A_305 [0] : vector<128x64xf32> to vector<64xf32>
    %broadcast_in_dim3A_307 = vector.shape_cast %reduce_sum3A_306 : vector<64xf32> to vector<1x64xf32>
    %add3A_308 = arith.addf %add3A_295, %broadcast_in_dim3A_307 : vector<1x64xf32>
    %slice3A_309 = vector.extract_strided_slice %convert_element_type3A_30 {offsets = [2688, 0], sizes = [128, 64], strides = [1, 1]} : vector<4096x64xf32> to vector<128x64xf32>
    %dot_general3A_310 = arith.constant dense<0.000000e+00> : vector<128x64xf32>
    %dot_general3A_311 = tpu.matmul %convert_element_type3A_34, %slice3A_309, %dot_general3A_310 {dimension_numbers = #tpu.dot_dimension_numbers<[1], [0], [0], [1], [0, 0, 1, 1], [], []>, transpose_lhs_hint = false} : vector<128x128xf32>, vector<128x64xf32>, vector<128x64xf32> -> vector<128x64xf32>
    %add3A_312 = vector.broadcast %add3A_308 : vector<1x64xf32> to vector<128x64xf32>
    %add3A_313 = arith.addf %dot_general3A_311, %add3A_312 : vector<128x64xf32>
    %mul3A_314 = arith.mulf %add3A_313, %slice3A_309 : vector<128x64xf32>
    %reduce_sum3A_315 = arith.constant dense<0.000000e+00> : vector<128xf32>
    %reduce_sum3A_316 = vector.multi_reduction <add>, %mul3A_314, %reduce_sum3A_315 [1] : vector<128x64xf32> to vector<128xf32>
    %broadcast_in_dim3A_317 = vector.shape_cast %reduce_sum3A_316 : vector<128xf32> to vector<128x1xf32>
    %reduce_sum3A_318 = arith.constant dense<0.000000e+00> : vector<64xf32>
    %reduce_sum3A_319 = vector.multi_reduction <add>, %slice3A_309, %reduce_sum3A_318 [0] : vector<128x64xf32> to vector<64xf32>
    %broadcast_in_dim3A_320 = vector.shape_cast %reduce_sum3A_319 : vector<64xf32> to vector<1x64xf32>
    %add3A_321 = arith.addf %add3A_308, %broadcast_in_dim3A_320 : vector<1x64xf32>
    %slice3A_322 = vector.extract_strided_slice %convert_element_type3A_30 {offsets = [2816, 0], sizes = [128, 64], strides = [1, 1]} : vector<4096x64xf32> to vector<128x64xf32>
    %dot_general3A_323 = arith.constant dense<0.000000e+00> : vector<128x64xf32>
    %dot_general3A_324 = tpu.matmul %convert_element_type3A_34, %slice3A_322, %dot_general3A_323 {dimension_numbers = #tpu.dot_dimension_numbers<[1], [0], [0], [1], [0, 0, 1, 1], [], []>, transpose_lhs_hint = false} : vector<128x128xf32>, vector<128x64xf32>, vector<128x64xf32> -> vector<128x64xf32>
    %add3A_325 = vector.broadcast %add3A_321 : vector<1x64xf32> to vector<128x64xf32>
    %add3A_326 = arith.addf %dot_general3A_324, %add3A_325 : vector<128x64xf32>
    %mul3A_327 = arith.mulf %add3A_326, %slice3A_322 : vector<128x64xf32>
    %reduce_sum3A_328 = arith.constant dense<0.000000e+00> : vector<128xf32>
    %reduce_sum3A_329 = vector.multi_reduction <add>, %mul3A_327, %reduce_sum3A_328 [1] : vector<128x64xf32> to vector<128xf32>
    %broadcast_in_dim3A_330 = vector.shape_cast %reduce_sum3A_329 : vector<128xf32> to vector<128x1xf32>
    %reduce_sum3A_331 = arith.constant dense<0.000000e+00> : vector<64xf32>
    %reduce_sum3A_332 = vector.multi_reduction <add>, %slice3A_322, %reduce_sum3A_331 [0] : vector<128x64xf32> to vector<64xf32>
    %broadcast_in_dim3A_333 = vector.shape_cast %reduce_sum3A_332 : vector<64xf32> to vector<1x64xf32>
    %add3A_334 = arith.addf %add3A_321, %broadcast_in_dim3A_333 : vector<1x64xf32>
    %slice3A_335 = vector.extract_strided_slice %convert_element_type3A_30 {offsets = [2944, 0], sizes = [128, 64], strides = [1, 1]} : vector<4096x64xf32> to vector<128x64xf32>
    %dot_general3A_336 = arith.constant dense<0.000000e+00> : vector<128x64xf32>
    %dot_general3A_337 = tpu.matmul %convert_element_type3A_34, %slice3A_335, %dot_general3A_336 {dimension_numbers = #tpu.dot_dimension_numbers<[1], [0], [0], [1], [0, 0, 1, 1], [], []>, transpose_lhs_hint = false} : vector<128x128xf32>, vector<128x64xf32>, vector<128x64xf32> -> vector<128x64xf32>
    %add3A_338 = vector.broadcast %add3A_334 : vector<1x64xf32> to vector<128x64xf32>
    %add3A_339 = arith.addf %dot_general3A_337, %add3A_338 : vector<128x64xf32>
    %mul3A_340 = arith.mulf %add3A_339, %slice3A_335 : vector<128x64xf32>
    %reduce_sum3A_341 = arith.constant dense<0.000000e+00> : vector<128xf32>
    %reduce_sum3A_342 = vector.multi_reduction <add>, %mul3A_340, %reduce_sum3A_341 [1] : vector<128x64xf32> to vector<128xf32>
    %broadcast_in_dim3A_343 = vector.shape_cast %reduce_sum3A_342 : vector<128xf32> to vector<128x1xf32>
    %reduce_sum3A_344 = arith.constant dense<0.000000e+00> : vector<64xf32>
    %reduce_sum3A_345 = vector.multi_reduction <add>, %slice3A_335, %reduce_sum3A_344 [0] : vector<128x64xf32> to vector<64xf32>
    %broadcast_in_dim3A_346 = vector.shape_cast %reduce_sum3A_345 : vector<64xf32> to vector<1x64xf32>
    %add3A_347 = arith.addf %add3A_334, %broadcast_in_dim3A_346 : vector<1x64xf32>
    %slice3A_348 = vector.extract_strided_slice %convert_element_type3A_30 {offsets = [3072, 0], sizes = [128, 64], strides = [1, 1]} : vector<4096x64xf32> to vector<128x64xf32>
    %dot_general3A_349 = arith.constant dense<0.000000e+00> : vector<128x64xf32>
    %dot_general3A_350 = tpu.matmul %convert_element_type3A_34, %slice3A_348, %dot_general3A_349 {dimension_numbers = #tpu.dot_dimension_numbers<[1], [0], [0], [1], [0, 0, 1, 1], [], []>, transpose_lhs_hint = false} : vector<128x128xf32>, vector<128x64xf32>, vector<128x64xf32> -> vector<128x64xf32>
    %add3A_351 = vector.broadcast %add3A_347 : vector<1x64xf32> to vector<128x64xf32>
    %add3A_352 = arith.addf %dot_general3A_350, %add3A_351 : vector<128x64xf32>
    %mul3A_353 = arith.mulf %add3A_352, %slice3A_348 : vector<128x64xf32>
    %reduce_sum3A_354 = arith.constant dense<0.000000e+00> : vector<128xf32>
    %reduce_sum3A_355 = vector.multi_reduction <add>, %mul3A_353, %reduce_sum3A_354 [1] : vector<128x64xf32> to vector<128xf32>
    %broadcast_in_dim3A_356 = vector.shape_cast %reduce_sum3A_355 : vector<128xf32> to vector<128x1xf32>
    %reduce_sum3A_357 = arith.constant dense<0.000000e+00> : vector<64xf32>
    %reduce_sum3A_358 = vector.multi_reduction <add>, %slice3A_348, %reduce_sum3A_357 [0] : vector<128x64xf32> to vector<64xf32>
    %broadcast_in_dim3A_359 = vector.shape_cast %reduce_sum3A_358 : vector<64xf32> to vector<1x64xf32>
    %add3A_360 = arith.addf %add3A_347, %broadcast_in_dim3A_359 : vector<1x64xf32>
    %slice3A_361 = vector.extract_strided_slice %convert_element_type3A_30 {offsets = [3200, 0], sizes = [128, 64], strides = [1, 1]} : vector<4096x64xf32> to vector<128x64xf32>
    %dot_general3A_362 = arith.constant dense<0.000000e+00> : vector<128x64xf32>
    %dot_general3A_363 = tpu.matmul %convert_element_type3A_34, %slice3A_361, %dot_general3A_362 {dimension_numbers = #tpu.dot_dimension_numbers<[1], [0], [0], [1], [0, 0, 1, 1], [], []>, transpose_lhs_hint = false} : vector<128x128xf32>, vector<128x64xf32>, vector<128x64xf32> -> vector<128x64xf32>
    %add3A_364 = vector.broadcast %add3A_360 : vector<1x64xf32> to vector<128x64xf32>
    %add3A_365 = arith.addf %dot_general3A_363, %add3A_364 : vector<128x64xf32>
    %mul3A_366 = arith.mulf %add3A_365, %slice3A_361 : vector<128x64xf32>
    %reduce_sum3A_367 = arith.constant dense<0.000000e+00> : vector<128xf32>
    %reduce_sum3A_368 = vector.multi_reduction <add>, %mul3A_366, %reduce_sum3A_367 [1] : vector<128x64xf32> to vector<128xf32>
    %broadcast_in_dim3A_369 = vector.shape_cast %reduce_sum3A_368 : vector<128xf32> to vector<128x1xf32>
    %reduce_sum3A_370 = arith.constant dense<0.000000e+00> : vector<64xf32>
    %reduce_sum3A_371 = vector.multi_reduction <add>, %slice3A_361, %reduce_sum3A_370 [0] : vector<128x64xf32> to vector<64xf32>
    %broadcast_in_dim3A_372 = vector.shape_cast %reduce_sum3A_371 : vector<64xf32> to vector<1x64xf32>
    %add3A_373 = arith.addf %add3A_360, %broadcast_in_dim3A_372 : vector<1x64xf32>
    %slice3A_374 = vector.extract_strided_slice %convert_element_type3A_30 {offsets = [3328, 0], sizes = [128, 64], strides = [1, 1]} : vector<4096x64xf32> to vector<128x64xf32>
    %dot_general3A_375 = arith.constant dense<0.000000e+00> : vector<128x64xf32>
    %dot_general3A_376 = tpu.matmul %convert_element_type3A_34, %slice3A_374, %dot_general3A_375 {dimension_numbers = #tpu.dot_dimension_numbers<[1], [0], [0], [1], [0, 0, 1, 1], [], []>, transpose_lhs_hint = false} : vector<128x128xf32>, vector<128x64xf32>, vector<128x64xf32> -> vector<128x64xf32>
    %add3A_377 = vector.broadcast %add3A_373 : vector<1x64xf32> to vector<128x64xf32>
    %add3A_378 = arith.addf %dot_general3A_376, %add3A_377 : vector<128x64xf32>
    %mul3A_379 = arith.mulf %add3A_378, %slice3A_374 : vector<128x64xf32>
    %reduce_sum3A_380 = arith.constant dense<0.000000e+00> : vector<128xf32>
    %reduce_sum3A_381 = vector.multi_reduction <add>, %mul3A_379, %reduce_sum3A_380 [1] : vector<128x64xf32> to vector<128xf32>
    %broadcast_in_dim3A_382 = vector.shape_cast %reduce_sum3A_381 : vector<128xf32> to vector<128x1xf32>
    %reduce_sum3A_383 = arith.constant dense<0.000000e+00> : vector<64xf32>
    %reduce_sum3A_384 = vector.multi_reduction <add>, %slice3A_374, %reduce_sum3A_383 [0] : vector<128x64xf32> to vector<64xf32>
    %broadcast_in_dim3A_385 = vector.shape_cast %reduce_sum3A_384 : vector<64xf32> to vector<1x64xf32>
    %add3A_386 = arith.addf %add3A_373, %broadcast_in_dim3A_385 : vector<1x64xf32>
    %slice3A_387 = vector.extract_strided_slice %convert_element_type3A_30 {offsets = [3456, 0], sizes = [128, 64], strides = [1, 1]} : vector<4096x64xf32> to vector<128x64xf32>
    %dot_general3A_388 = arith.constant dense<0.000000e+00> : vector<128x64xf32>
    %dot_general3A_389 = tpu.matmul %convert_element_type3A_34, %slice3A_387, %dot_general3A_388 {dimension_numbers = #tpu.dot_dimension_numbers<[1], [0], [0], [1], [0, 0, 1, 1], [], []>, transpose_lhs_hint = false} : vector<128x128xf32>, vector<128x64xf32>, vector<128x64xf32> -> vector<128x64xf32>
    %add3A_390 = vector.broadcast %add3A_386 : vector<1x64xf32> to vector<128x64xf32>
    %add3A_391 = arith.addf %dot_general3A_389, %add3A_390 : vector<128x64xf32>
    %mul3A_392 = arith.mulf %add3A_391, %slice3A_387 : vector<128x64xf32>
    %reduce_sum3A_393 = arith.constant dense<0.000000e+00> : vector<128xf32>
    %reduce_sum3A_394 = vector.multi_reduction <add>, %mul3A_392, %reduce_sum3A_393 [1] : vector<128x64xf32> to vector<128xf32>
    %broadcast_in_dim3A_395 = vector.shape_cast %reduce_sum3A_394 : vector<128xf32> to vector<128x1xf32>
    %reduce_sum3A_396 = arith.constant dense<0.000000e+00> : vector<64xf32>
    %reduce_sum3A_397 = vector.multi_reduction <add>, %slice3A_387, %reduce_sum3A_396 [0] : vector<128x64xf32> to vector<64xf32>
    %broadcast_in_dim3A_398 = vector.shape_cast %reduce_sum3A_397 : vector<64xf32> to vector<1x64xf32>
    %add3A_399 = arith.addf %add3A_386, %broadcast_in_dim3A_398 : vector<1x64xf32>
    %slice3A_400 = vector.extract_strided_slice %convert_element_type3A_30 {offsets = [3584, 0], sizes = [128, 64], strides = [1, 1]} : vector<4096x64xf32> to vector<128x64xf32>
    %dot_general3A_401 = arith.constant dense<0.000000e+00> : vector<128x64xf32>
    %dot_general3A_402 = tpu.matmul %convert_element_type3A_34, %slice3A_400, %dot_general3A_401 {dimension_numbers = #tpu.dot_dimension_numbers<[1], [0], [0], [1], [0, 0, 1, 1], [], []>, transpose_lhs_hint = false} : vector<128x128xf32>, vector<128x64xf32>, vector<128x64xf32> -> vector<128x64xf32>
    %add3A_403 = vector.broadcast %add3A_399 : vector<1x64xf32> to vector<128x64xf32>
    %add3A_404 = arith.addf %dot_general3A_402, %add3A_403 : vector<128x64xf32>
    %mul3A_405 = arith.mulf %add3A_404, %slice3A_400 : vector<128x64xf32>
    %reduce_sum3A_406 = arith.constant dense<0.000000e+00> : vector<128xf32>
    %reduce_sum3A_407 = vector.multi_reduction <add>, %mul3A_405, %reduce_sum3A_406 [1] : vector<128x64xf32> to vector<128xf32>
    %broadcast_in_dim3A_408 = vector.shape_cast %reduce_sum3A_407 : vector<128xf32> to vector<128x1xf32>
    %reduce_sum3A_409 = arith.constant dense<0.000000e+00> : vector<64xf32>
    %reduce_sum3A_410 = vector.multi_reduction <add>, %slice3A_400, %reduce_sum3A_409 [0] : vector<128x64xf32> to vector<64xf32>
    %broadcast_in_dim3A_411 = vector.shape_cast %reduce_sum3A_410 : vector<64xf32> to vector<1x64xf32>
    %add3A_412 = arith.addf %add3A_399, %broadcast_in_dim3A_411 : vector<1x64xf32>
    %slice3A_413 = vector.extract_strided_slice %convert_element_type3A_30 {offsets = [3712, 0], sizes = [128, 64], strides = [1, 1]} : vector<4096x64xf32> to vector<128x64xf32>
    %dot_general3A_414 = arith.constant dense<0.000000e+00> : vector<128x64xf32>
    %dot_general3A_415 = tpu.matmul %convert_element_type3A_34, %slice3A_413, %dot_general3A_414 {dimension_numbers = #tpu.dot_dimension_numbers<[1], [0], [0], [1], [0, 0, 1, 1], [], []>, transpose_lhs_hint = false} : vector<128x128xf32>, vector<128x64xf32>, vector<128x64xf32> -> vector<128x64xf32>
    %add3A_416 = vector.broadcast %add3A_412 : vector<1x64xf32> to vector<128x64xf32>
    %add3A_417 = arith.addf %dot_general3A_415, %add3A_416 : vector<128x64xf32>
    %mul3A_418 = arith.mulf %add3A_417, %slice3A_413 : vector<128x64xf32>
    %reduce_sum3A_419 = arith.constant dense<0.000000e+00> : vector<128xf32>
    %reduce_sum3A_420 = vector.multi_reduction <add>, %mul3A_418, %reduce_sum3A_419 [1] : vector<128x64xf32> to vector<128xf32>
    %broadcast_in_dim3A_421 = vector.shape_cast %reduce_sum3A_420 : vector<128xf32> to vector<128x1xf32>
    %reduce_sum3A_422 = arith.constant dense<0.000000e+00> : vector<64xf32>
    %reduce_sum3A_423 = vector.multi_reduction <add>, %slice3A_413, %reduce_sum3A_422 [0] : vector<128x64xf32> to vector<64xf32>
    %broadcast_in_dim3A_424 = vector.shape_cast %reduce_sum3A_423 : vector<64xf32> to vector<1x64xf32>
    %add3A_425 = arith.addf %add3A_412, %broadcast_in_dim3A_424 : vector<1x64xf32>
    %slice3A_426 = vector.extract_strided_slice %convert_element_type3A_30 {offsets = [3840, 0], sizes = [128, 64], strides = [1, 1]} : vector<4096x64xf32> to vector<128x64xf32>
    %dot_general3A_427 = arith.constant dense<0.000000e+00> : vector<128x64xf32>
    %dot_general3A_428 = tpu.matmul %convert_element_type3A_34, %slice3A_426, %dot_general3A_427 {dimension_numbers = #tpu.dot_dimension_numbers<[1], [0], [0], [1], [0, 0, 1, 1], [], []>, transpose_lhs_hint = false} : vector<128x128xf32>, vector<128x64xf32>, vector<128x64xf32> -> vector<128x64xf32>
    %add3A_429 = vector.broadcast %add3A_425 : vector<1x64xf32> to vector<128x64xf32>
    %add3A_430 = arith.addf %dot_general3A_428, %add3A_429 : vector<128x64xf32>
    %mul3A_431 = arith.mulf %add3A_430, %slice3A_426 : vector<128x64xf32>
    %reduce_sum3A_432 = arith.constant dense<0.000000e+00> : vector<128xf32>
    %reduce_sum3A_433 = vector.multi_reduction <add>, %mul3A_431, %reduce_sum3A_432 [1] : vector<128x64xf32> to vector<128xf32>
    %broadcast_in_dim3A_434 = vector.shape_cast %reduce_sum3A_433 : vector<128xf32> to vector<128x1xf32>
    %reduce_sum3A_435 = arith.constant dense<0.000000e+00> : vector<64xf32>
    %reduce_sum3A_436 = vector.multi_reduction <add>, %slice3A_426, %reduce_sum3A_435 [0] : vector<128x64xf32> to vector<64xf32>
    %broadcast_in_dim3A_437 = vector.shape_cast %reduce_sum3A_436 : vector<64xf32> to vector<1x64xf32>
    %add3A_438 = arith.addf %add3A_425, %broadcast_in_dim3A_437 : vector<1x64xf32>
    %slice3A_439 = vector.extract_strided_slice %convert_element_type3A_30 {offsets = [3968, 0], sizes = [128, 64], strides = [1, 1]} : vector<4096x64xf32> to vector<128x64xf32>
    %dot_general3A_440 = arith.constant dense<0.000000e+00> : vector<128x64xf32>
    %dot_general3A_441 = tpu.matmul %convert_element_type3A_34, %slice3A_439, %dot_general3A_440 {dimension_numbers = #tpu.dot_dimension_numbers<[1], [0], [0], [1], [0, 0, 1, 1], [], []>, transpose_lhs_hint = false} : vector<128x128xf32>, vector<128x64xf32>, vector<128x64xf32> -> vector<128x64xf32>
    %add3A_442 = vector.broadcast %add3A_438 : vector<1x64xf32> to vector<128x64xf32>
    %add3A_443 = arith.addf %dot_general3A_441, %add3A_442 : vector<128x64xf32>
    %mul3A_444 = arith.mulf %add3A_443, %slice3A_439 : vector<128x64xf32>
    %reduce_sum3A_445 = arith.constant dense<0.000000e+00> : vector<128xf32>
    %reduce_sum3A_446 = vector.multi_reduction <add>, %mul3A_444, %reduce_sum3A_445 [1] : vector<128x64xf32> to vector<128xf32>
    %broadcast_in_dim3A_447 = vector.shape_cast %reduce_sum3A_446 : vector<128xf32> to vector<128x1xf32>
    %reduce_sum3A_448 = arith.constant dense<0.000000e+00> : vector<64xf32>
    %reduce_sum3A_449 = vector.multi_reduction <add>, %slice3A_439, %reduce_sum3A_448 [0] : vector<128x64xf32> to vector<64xf32>
    %broadcast_in_dim3A_450 = vector.shape_cast %reduce_sum3A_449 : vector<64xf32> to vector<1x64xf32>
    %add3A_451 = arith.addf %add3A_438, %broadcast_in_dim3A_450 : vector<1x64xf32>
    %concatenate3A = tpu.concatenate %broadcast_in_dim3A_44, %broadcast_in_dim3A_57, %broadcast_in_dim3A_70, %broadcast_in_dim3A_83, %broadcast_in_dim3A_96, %broadcast_in_dim3A_109, %broadcast_in_dim3A_122, %broadcast_in_dim3A_135, %broadcast_in_dim3A_148, %broadcast_in_dim3A_161, %broadcast_in_dim3A_174, %broadcast_in_dim3A_187, %broadcast_in_dim3A_200, %broadcast_in_dim3A_213, %broadcast_in_dim3A_226, %broadcast_in_dim3A_239, %broadcast_in_dim3A_252, %broadcast_in_dim3A_265, %broadcast_in_dim3A_278, %broadcast_in_dim3A_291, %broadcast_in_dim3A_304, %broadcast_in_dim3A_317, %broadcast_in_dim3A_330, %broadcast_in_dim3A_343, %broadcast_in_dim3A_356, %broadcast_in_dim3A_369, %broadcast_in_dim3A_382, %broadcast_in_dim3A_395, %broadcast_in_dim3A_408, %broadcast_in_dim3A_421, %broadcast_in_dim3A_434, %broadcast_in_dim3A_447 in 0 : vector<128x1xf32>, vector<128x1xf32>, vector<128x1xf32>, vector<128x1xf32>, vector<128x1xf32>, vector<128x1xf32>, vector<128x1xf32>, vector<128x1xf32>, vector<128x1xf32>, vector<128x1xf32>, vector<128x1xf32>, vector<128x1xf32>, vector<128x1xf32>, vector<128x1xf32>, vector<128x1xf32>, vector<128x1xf32>, vector<128x1xf32>, vector<128x1xf32>, vector<128x1xf32>, vector<128x1xf32>, vector<128x1xf32>, vector<128x1xf32>, vector<128x1xf32>, vector<128x1xf32>, vector<128x1xf32>, vector<128x1xf32>, vector<128x1xf32>, vector<128x1xf32>, vector<128x1xf32>, vector<128x1xf32>, vector<128x1xf32>, vector<128x1xf32> -> vector<4096x1xf32>
    %iota3A_452 = tpu.iota {dimensions = array<i32: 0>} : vector<64x64xi32>
    %iota3A_453 = tpu.iota {dimensions = array<i32: 1>} : vector<64x64xi32>
    %lt3A_454 = arith.cmpi slt, %iota3A_452, %iota3A_453 : vector<64x64xi32>
    %convert_element_type3A_455 = arith.extui %lt3A_454 : vector<64x64xi1> to vector<64x64xi32>
    %convert_element_type3A_456 = arith.sitofp %convert_element_type3A_455 : vector<64x64xi32> to vector<64x64xf32>
    %dot_general3A_457 = arith.constant dense<0.000000e+00> : vector<1x64xf32>
    %dot_general3A_458 = tpu.matmul %add3A_451, %convert_element_type3A_456, %dot_general3A_457 {dimension_numbers = #tpu.dot_dimension_numbers<[1], [0], [0], [1], [0, 0, 1, 1], [], []>, transpose_lhs_hint = false} : vector<1x64xf32>, vector<64x64xf32>, vector<1x64xf32> -> vector<1x64xf32>
    %dot_general3A_459 = arith.constant dense<0.000000e+00> : vector<4096x1xf32>
    %dot_general3A_460 = tpu.matmul %convert_element_type3A_30, %dot_general3A_458, %dot_general3A_459 {dimension_numbers = #tpu.dot_dimension_numbers<[1], [1], [0], [0], [0, 0, 1, 0], [], []>, transpose_lhs_hint = false} : vector<4096x64xf32>, vector<1x64xf32>, vector<4096x1xf32> -> vector<4096x1xf32>
    %add3A_461 = arith.addf %concatenate3A, %dot_general3A_460 : vector<4096x1xf32>
    %convert_element_type3A_462 = arith.fptosi %add3A_461 : vector<4096x1xf32> to vector<4096x1xi32>
    %swap3A_463 = arith.constant 0 : index
    %swap3A_464 = arith.constant 0 : index
    %swap3A_465 = vector.load %arg4[%swap3A_463, %swap3A_464] : memref<4096x1xi32, #tpu.memory_space<vmem>>, vector<4096x1xi32>
    tpu.vector_store %arg4[%swap3A_463, %swap3A_464], %convert_element_type3A_462 {strides = array<i32>} : memref<4096x1xi32, #tpu.memory_space<vmem>>, vector<4096x1xi32>,
    %convert_element_type3A_466 = arith.fptosi %add3A_451 : vector<1x64xf32> to vector<1x64xi32>
    %swap3A_467 = arith.constant 0 : index
    %swap3A_468 = arith.constant 0 : index
    %swap3A_469 = vector.load %arg5[%swap3A_467, %swap3A_468] : memref<1x64xi32, #tpu.memory_space<vmem>>, vector<1x64xi32>
    tpu.vector_store %arg5[%swap3A_467, %swap3A_468], %convert_element_type3A_466 {strides = array<i32>} : memref<1x64xi32, #tpu.memory_space<vmem>>, vector<1x64xi32>,
    %convert_element_type3A_470 = arith.fptosi %dot_general3A_458 : vector<1x64xf32> to vector<1x64xi32>
    %swap3A_471 = arith.constant 0 : index
    %swap3A_472 = arith.constant 0 : index
    %swap3A_473 = vector.load %arg6[%swap3A_471, %swap3A_472] : memref<1x64xi32, #tpu.memory_space<vmem>>, vector<1x64xi32>
    tpu.vector_store %arg6[%swap3A_471, %swap3A_472], %convert_element_type3A_470 {strides = array<i32>} : memref<1x64xi32, #tpu.memory_space<vmem>>, vector<1x64xi32>,
    %iota3A_474 = tpu.iota {dimensions = array<i32: 0>} : vector<16x1xi32>
    %convert_element_type3A_475 = arith.sitofp %iota3A_474 : vector<16x1xi32> to vector<16x1xf32>
    %mul3A_476 = arith.constant 2.560000e+02 : f32
    %mul3A_477 = vector.broadcast %mul3A_476 : f32 to vector<16x1xf32>
    %mul3A_478 = arith.mulf %convert_element_type3A_475, %mul3A_477 : vector<16x1xf32>
    %gt3A = arith.constant 5.000000e-01 : f32
    %gt3A_479 = vector.broadcast %gt3A : f32 to vector<1x64xf32>
    %gt3A_480 = arith.cmpf ogt, %add3A_451, %gt3A_479 : vector<1x64xf32>
    %add3A_481 = arith.constant 2.560000e+02 : f32
    %add3A_482 = vector.broadcast %add3A_481 : f32 to vector<16x1xf32>
    %add3A_483 = arith.addf %mul3A_478, %add3A_482 : vector<16x1xf32>
    %lt3A_484 = vector.broadcast %dot_general3A_458 : vector<1x64xf32> to vector<16x64xf32>
    %lt3A_485 = vector.broadcast %add3A_483 : vector<16x1xf32> to vector<16x64xf32>
    %lt3A_486 = arith.cmpf olt, %lt3A_484, %lt3A_485 : vector<16x64xf32>
    %add3A_487 = arith.addf %dot_general3A_458, %add3A_451 : vector<1x64xf32>
    %gt3A_488 = vector.broadcast %add3A_487 : vector<1x64xf32> to vector<16x64xf32>
    %gt3A_489 = vector.broadcast %mul3A_478 : vector<16x1xf32> to vector<16x64xf32>
    %gt3A_490 = arith.cmpf ogt, %gt3A_488, %gt3A_489 : vector<16x64xf32>
    %and3A = arith.andi %lt3A_486, %gt3A_490 : vector<16x64xi1>
    %and3A_491 = vector.broadcast %gt3A_480 : vector<1x64xi1> to vector<16x64xi1>
    %and3A_492 = arith.andi %and3A_491, %and3A : vector<16x64xi1>
    %convert_element_type3A_493 = arith.extui %and3A_492 : vector<16x64xi1> to vector<16x64xi32>
    %convert_element_type3A_494 = arith.sitofp %convert_element_type3A_493 : vector<16x64xi32> to vector<16x64xf32>
    %reduce_sum3A_495 = arith.constant dense<0.000000e+00> : vector<16xf32>
    %reduce_sum3A_496 = vector.multi_reduction <add>, %convert_element_type3A_494, %reduce_sum3A_495 [1] : vector<16x64xf32> to vector<16xf32>
    %broadcast_in_dim3A_497 = vector.shape_cast %reduce_sum3A_496 : vector<16xf32> to vector<16x1xf32>
    %convert_element_type3A_498 = arith.fptosi %broadcast_in_dim3A_497 : vector<16x1xf32> to vector<16x1xi32>
    %swap3A_499 = arith.constant 0 : index
    %swap3A_500 = arith.constant 0 : index
    %swap3A_501 = vector.load %arg7[%swap3A_499, %swap3A_500] : memref<16x1xi32, #tpu.memory_space<vmem>>, vector<16x1xi32>
    tpu.vector_store %arg7[%swap3A_499, %swap3A_500], %convert_element_type3A_498 {strides = array<i32>} : memref<16x1xi32, #tpu.memory_space<vmem>>, vector<16x1xi32>,
    %dot_general3A_502 = arith.constant dense<0.000000e+00> : vector<16x64xf32>
    %dot_general3A_503 = tpu.matmul %convert_element_type3A_494, %convert_element_type3A_456, %dot_general3A_502 {dimension_numbers = #tpu.dot_dimension_numbers<[1], [0], [0], [1], [0, 0, 1, 1], [], []>, transpose_lhs_hint = false} : vector<16x64xf32>, vector<64x64xf32>, vector<16x64xf32> -> vector<16x64xf32>
    %iota3A_504 = tpu.iota {dimensions = array<i32: 1>} : vector<16x64x1xi32>
    %convert_element_type3A_505 = arith.sitofp %iota3A_504 : vector<16x64x1xi32> to vector<16x64x1xf32>
    %broadcast_in_dim3A_506 = vector.shape_cast %dot_general3A_503 : vector<16x64xf32> to vector<16x64x1xf32>
    %iota3A_507 = tpu.iota {dimensions = array<i32: 2>} : vector<16x64x64xi32>
    %convert_element_type3A_508 = arith.sitofp %iota3A_507 : vector<16x64x64xi32> to vector<16x64x64xf32>
    %eq3A_509 = vector.broadcast %broadcast_in_dim3A_506 : vector<16x64x1xf32> to vector<16x64x64xf32>
    %eq3A_510 = arith.cmpf oeq, %eq3A_509, %convert_element_type3A_508 : vector<16x64x64xf32>
    %broadcast_in_dim3A_511 = vector.shape_cast %convert_element_type3A_494 : vector<16x64xf32> to vector<16x64x1xf32>
    %mul3A_512 = arith.mulf %broadcast_in_dim3A_511, %convert_element_type3A_505 : vector<16x64x1xf32>
    %jit3A_513 = arith.constant 0.000000e+00 : f32
    %broadcast_in_dim3A_514 = vector.shape_cast %mul3A_512 : vector<16x64x1xf32> to vector<16x64x1xf32>
    %broadcast_in_dim3A_515 = vector.broadcast %broadcast_in_dim3A_514 : vector<16x64x1xf32> to vector<16x64x64xf32>
    %broadcast_in_dim3A_516 = vector.broadcast %jit3A_513 : f32 to vector<16x64x64xf32>
    %select_n3A_517 = arith.select %eq3A_510, %broadcast_in_dim3A_515, %broadcast_in_dim3A_516 : vector<16x64x64xi1>, vector<16x64x64xf32>
    %reduce_sum3A_518 = arith.constant dense<0.000000e+00> : vector<16x64xf32>
    %reduce_sum3A_519 = vector.multi_reduction <add>, %select_n3A_517, %reduce_sum3A_518 [1] : vector<16x64x64xf32> to vector<16x64xf32>
    %convert_element_type3A_520 = arith.fptosi %reduce_sum3A_519 : vector<16x64xf32> to vector<16x64xi32>
    %swap3A_521 = arith.constant 0 : index
    %swap3A_522 = arith.constant 0 : index
    %swap3A_523 = vector.load %arg8[%swap3A_521, %swap3A_522] : memref<16x64xi32, #tpu.memory_space<vmem>>, vector<16x64xi32>
    tpu.vector_store %arg8[%swap3A_521, %swap3A_522], %convert_element_type3A_520 {strides = array<i32>} : memref<16x64xi32, #tpu.memory_space<vmem>>, vector<16x64xi32>,
    return
  }
}

module attributes {stable_mosaic.version = 14 : i64} {
  func.func @_adc_body(%arg0: i32, %arg1: memref<1x64xi32, #tpu.memory_space<smem>>, %arg2: memref<1x64xi32, #tpu.memory_space<smem>>, %arg3: memref<1x1x1xi32, #tpu.memory_space<smem>>, %arg4: memref<1x1x64xi32, #tpu.memory_space<smem>>, %arg5: memref<256x256xf32, #tpu.memory_space<vmem>>, %arg6: memref<64x8x32x256xf32, #tpu.memory_space<hbm>>, %arg7: memref<8x256x256xf32, #tpu.memory_space<vmem>>, %arg8: memref<2x8x32x256xf32, #tpu.memory_space<vmem>>, %arg9: memref<2x!tpu.dma_semaphore, #tpu.memory_space<semaphore_mem>>) attributes {dimension_semantics = [#tpu.dimension_semantics<arbitrary>], iteration_bounds = array<i64: 16>, scalar_prefetch = 0 : i64, scratch_operands = 2 : i64, tpu.core_type = #tpu.core_type<tc>, window_params = [{transform_indices = @transform_0, window_bounds = array<i64: 1, 64>}, {transform_indices = @transform_1, window_bounds = array<i64: 1, 64>}, {transform_indices = @transform_2, window_bounds = array<i64: 1, 1, 1>}, {transform_indices = @transform_3, window_bounds = array<i64: 1, 1, 64>}, {transform_indices = @transform_4, window_bounds = array<i64: 256, 256>}, {}, {transform_indices = @transform_6, window_bounds = array<i64: 8, 256, 256>}]} {
    %mul3A = arith.constant 256 : i32
    %mul3A_0 = arith.muli %arg0, %mul3A : i32
    %get3A = arith.constant 0 : index
    %get3A_1 = arith.constant 0 : index
    %get3A_2 = vector.load %arg5[%get3A, %get3A_1] : memref<256x256xf32, #tpu.memory_space<vmem>>, vector<256x256xf32>
    %iota3A = tpu.iota {dimensions = array<i32: 0>} : vector<256x1xi32>
    %add3A = vector.broadcast %mul3A_0 : i32 to vector<256x1xi32>
    %add3A_3 = arith.addi %iota3A, %add3A : vector<256x1xi32>
    %get3A_4 = arith.constant 0 : index
    %get3A_5 = arith.constant 0 : index
    %get3A_6 = arith.constant 0 : index
    %get3A_7 = memref.load %arg3[%get3A_4, %get3A_5, %get3A_6] : memref<1x1x1xi32, #tpu.memory_space<smem>>
    %get3A_8 = arith.constant 0 : index
    %get3A_9 = arith.constant 0 : index
    %get3A_10 = arith.constant 0 : index
    %get3A_11 = memref.load %arg4[%get3A_8, %get3A_9, %get3A_10] : memref<1x1x64xi32, #tpu.memory_space<smem>>
    %dma_start3A = arith.constant 0 : i32
    %dma_start3A_12 = arith.constant 0 : i32
    %dma_start3A_13 = tpu.memref_slice %arg9[%dma_start3A_12] : memref<2x!tpu.dma_semaphore, #tpu.memory_space<semaphore_mem>> -> memref<1x!tpu.dma_semaphore, #tpu.memory_space<semaphore_mem>>
    %dma_start3A_14 = tpu.memref_squeeze %dma_start3A_13 : memref<1x!tpu.dma_semaphore, #tpu.memory_space<semaphore_mem>> -> memref<!tpu.dma_semaphore, #tpu.memory_space<semaphore_mem>>
    %dma_start3A_15 = arith.constant 0 : i32
    %dma_start3A_16 = arith.constant 0 : i32
    %dma_start3A_17 = arith.constant 0 : i32
    %dma_start3A_18 = tpu.memref_slice %arg8[%dma_start3A, %dma_start3A_15, %dma_start3A_16, %dma_start3A_17] : memref<2x8x32x256xf32, #tpu.memory_space<vmem>> -> memref<1x8x32x256xf32, #tpu.memory_space<vmem>>
    %dma_start3A_19 = tpu.memref_squeeze %dma_start3A_18 : memref<1x8x32x256xf32, #tpu.memory_space<vmem>> -> memref<8x32x256xf32, #tpu.memory_space<vmem>>
    %dma_start3A_20 = arith.constant 0 : i32
    %dma_start3A_21 = arith.constant 0 : i32
    %dma_start3A_22 = arith.constant 0 : i32
    %dma_start3A_23 = tpu.memref_slice %arg6[%get3A_11, %dma_start3A_20, %dma_start3A_21, %dma_start3A_22] : memref<64x8x32x256xf32, #tpu.memory_space<hbm>> -> memref<1x8x32x256xf32, #tpu.memory_space<hbm>>
    %dma_start3A_24 = tpu.memref_squeeze %dma_start3A_23 : memref<1x8x32x256xf32, #tpu.memory_space<hbm>> -> memref<8x32x256xf32, #tpu.memory_space<hbm>>
    tpu.enqueue_dma source(%dma_start3A_24 : memref<8x32x256xf32, #tpu.memory_space<hbm>>) target(%dma_start3A_19 : memref<8x32x256xf32, #tpu.memory_space<vmem>>) target_semaphore(%dma_start3A_14 : memref<!tpu.dma_semaphore, #tpu.memory_space<semaphore_mem>>)
    %while3A = arith.constant 0 : i32
    %while3A_25 = arith.constant 0 : i32
    %while3A_26 = arith.subi %get3A_7, %while3A_25 : i32
    %while3A_27 = arith.addi %while3A_25, %while3A_26 : i32
    %while3A_28 = arith.constant 1 : i32
    %while3A_29 = arith.divsi %while3A_26, %while3A_28 : i32
    %while3A_30 = arith.muli %while3A_29, %while3A_28 : i32
    %while3A_31 = arith.addi %while3A_25, %while3A_30 : i32
    %while3A_32 = arith.constant 1 : i32
    scf.for %while3A_34 = %while3A_25 to %while3A_31 step %while3A_32  : i32 {
      %rem3A = arith.constant 2 : i32
      %rem3A_35 = arith.remsi %while3A_34, %rem3A : i32
      %add3A_36 = arith.constant 1 : i32
      %add3A_37 = arith.addi %while3A_34, %add3A_36 : i32
      %lt3A = arith.cmpi slt, %add3A_37, %get3A_7 : i32
      %convert_element_type3A = arith.extui %lt3A : i1 to i32
      %cond3A = arith.constant 0 : i32
      %cond3A_38 = arith.cmpi ne, %convert_element_type3A, %cond3A : i32
      scf.if %cond3A_38 {
        %add3A_365 = arith.constant 1 : i32
        %add3A_366 = arith.addi %while3A_34, %add3A_365 : i32
        %sub3A_367 = arith.constant 1 : i32
        %sub3A_368 = arith.subi %sub3A_367, %rem3A_35 : i32
        %get3A_369 = arith.constant 0 : index
        %get3A_370 = arith.constant 0 : index
        %get3A_371 = arith.index_cast %add3A_366 : i32 to index
        %get3A_372 = memref.load %arg4[%get3A_369, %get3A_370, %get3A_371] : memref<1x1x64xi32, #tpu.memory_space<smem>>
        %dma_start3A_373 = tpu.memref_slice %arg9[%sub3A_368] : memref<2x!tpu.dma_semaphore, #tpu.memory_space<semaphore_mem>> -> memref<1x!tpu.dma_semaphore, #tpu.memory_space<semaphore_mem>>
        %dma_start3A_374 = tpu.memref_squeeze %dma_start3A_373 : memref<1x!tpu.dma_semaphore, #tpu.memory_space<semaphore_mem>> -> memref<!tpu.dma_semaphore, #tpu.memory_space<semaphore_mem>>
        %dma_start3A_375 = arith.constant 0 : i32
        %dma_start3A_376 = arith.constant 0 : i32
        %dma_start3A_377 = arith.constant 0 : i32
        %dma_start3A_378 = tpu.memref_slice %arg8[%sub3A_368, %dma_start3A_375, %dma_start3A_376, %dma_start3A_377] : memref<2x8x32x256xf32, #tpu.memory_space<vmem>> -> memref<1x8x32x256xf32, #tpu.memory_space<vmem>>
        %dma_start3A_379 = tpu.memref_squeeze %dma_start3A_378 : memref<1x8x32x256xf32, #tpu.memory_space<vmem>> -> memref<8x32x256xf32, #tpu.memory_space<vmem>>
        %dma_start3A_380 = arith.constant 0 : i32
        %dma_start3A_381 = arith.constant 0 : i32
        %dma_start3A_382 = arith.constant 0 : i32
        %dma_start3A_383 = tpu.memref_slice %arg6[%get3A_372, %dma_start3A_380, %dma_start3A_381, %dma_start3A_382] : memref<64x8x32x256xf32, #tpu.memory_space<hbm>> -> memref<1x8x32x256xf32, #tpu.memory_space<hbm>>
        %dma_start3A_384 = tpu.memref_squeeze %dma_start3A_383 : memref<1x8x32x256xf32, #tpu.memory_space<hbm>> -> memref<8x32x256xf32, #tpu.memory_space<hbm>>
        tpu.enqueue_dma source(%dma_start3A_384 : memref<8x32x256xf32, #tpu.memory_space<hbm>>) target(%dma_start3A_379 : memref<8x32x256xf32, #tpu.memory_space<vmem>>) target_semaphore(%dma_start3A_374 : memref<!tpu.dma_semaphore, #tpu.memory_space<semaphore_mem>>)
      } else {
      }
      %get3A_39 = arith.constant 0 : index
      %get3A_40 = arith.constant 0 : index
      %get3A_41 = arith.index_cast %while3A_34 : i32 to index
      %get3A_42 = memref.load %arg4[%get3A_39, %get3A_40, %get3A_41] : memref<1x1x64xi32, #tpu.memory_space<smem>>
      %dma_wait3A = tpu.memref_slice %arg9[%rem3A_35] : memref<2x!tpu.dma_semaphore, #tpu.memory_space<semaphore_mem>> -> memref<1x!tpu.dma_semaphore, #tpu.memory_space<semaphore_mem>>
      %dma_wait3A_43 = tpu.memref_squeeze %dma_wait3A : memref<1x!tpu.dma_semaphore, #tpu.memory_space<semaphore_mem>> -> memref<!tpu.dma_semaphore, #tpu.memory_space<semaphore_mem>>
      %dma_wait3A_44 = arith.constant 0 : i32
      %dma_wait3A_45 = arith.constant 0 : i32
      %dma_wait3A_46 = arith.constant 0 : i32
      %dma_wait3A_47 = tpu.memref_slice %arg8[%rem3A_35, %dma_wait3A_44, %dma_wait3A_45, %dma_wait3A_46] : memref<2x8x32x256xf32, #tpu.memory_space<vmem>> -> memref<1x8x32x256xf32, #tpu.memory_space<vmem>>
      %dma_wait3A_48 = tpu.memref_squeeze %dma_wait3A_47 : memref<1x8x32x256xf32, #tpu.memory_space<vmem>> -> memref<8x32x256xf32, #tpu.memory_space<vmem>>
      %dma_wait3A_49 = arith.constant 0 : i32
      %dma_wait3A_50 = arith.constant 0 : i32
      %dma_wait3A_51 = arith.constant 0 : i32
      %dma_wait3A_52 = tpu.memref_slice %arg6[%get3A_42, %dma_wait3A_49, %dma_wait3A_50, %dma_wait3A_51] : memref<64x8x32x256xf32, #tpu.memory_space<hbm>> -> memref<1x8x32x256xf32, #tpu.memory_space<hbm>>
      %dma_wait3A_53 = tpu.memref_squeeze %dma_wait3A_52 : memref<1x8x32x256xf32, #tpu.memory_space<hbm>> -> memref<8x32x256xf32, #tpu.memory_space<hbm>>
      tpu.wait_dma2 semaphore(%dma_wait3A_43 : memref<!tpu.dma_semaphore, #tpu.memory_space<semaphore_mem>>) src(%dma_wait3A_53 : memref<8x32x256xf32, #tpu.memory_space<hbm>>) dst(%dma_wait3A_48 : memref<8x32x256xf32, #tpu.memory_space<vmem>>)
      %get3A_54 = arith.constant 0 : index
      %get3A_55 = arith.constant 0 : index
      %get3A_56 = arith.index_cast %while3A_34 : i32 to index
      %get3A_57 = memref.load %arg4[%get3A_54, %get3A_55, %get3A_56] : memref<1x1x64xi32, #tpu.memory_space<smem>>
      %get3A_58 = arith.constant 0 : index
      %get3A_59 = arith.index_cast %get3A_57 : i32 to index
      %get3A_60 = memref.load %arg2[%get3A_58, %get3A_59] : memref<1x64xi32, #tpu.memory_space<smem>>
      %get3A_61 = arith.constant 0 : index
      %get3A_62 = arith.index_cast %get3A_57 : i32 to index
      %get3A_63 = memref.load %arg1[%get3A_61, %get3A_62] : memref<1x64xi32, #tpu.memory_space<smem>>
      %ge3A = vector.broadcast %get3A_60 : i32 to vector<256x1xi32>
      %ge3A_64 = arith.cmpi sge, %add3A_3, %ge3A : vector<256x1xi32>
      %add3A_65 = arith.addi %get3A_60, %get3A_63 : i32
      %lt3A_66 = vector.broadcast %add3A_65 : i32 to vector<256x1xi32>
      %lt3A_67 = arith.cmpi slt, %add3A_3, %lt3A_66 : vector<256x1xi32>
      %and3A = arith.andi %ge3A_64, %lt3A_67 : vector<256x1xi1>
      %slice3A = vector.extract_strided_slice %get3A_2 {offsets = [0, 0], sizes = [256, 32], strides = [1, 1]} : vector<256x256xf32> to vector<256x32xf32>
      %get3A_68 = arith.index_cast %rem3A_35 : i32 to index
      %get3A_69 = arith.constant 0 : index
      %get3A_70 = arith.constant 0 : index
      %get3A_71 = arith.constant 0 : index
      %get3A_72 = vector.load %arg8[%get3A_68, %get3A_69, %get3A_70, %get3A_71] : memref<2x8x32x256xf32, #tpu.memory_space<vmem>>, vector<1x1x32x256xf32>
      %get3A_73 = vector.shape_cast %get3A_72 : vector<1x1x32x256xf32> to vector<32x256xf32>
      %dot_general3A = arith.constant dense<0.000000e+00> : vector<256x256xf32>
      %dot_general3A_74 = tpu.matmul %slice3A, %get3A_73, %dot_general3A {dimension_numbers = #tpu.dot_dimension_numbers<[1], [0], [0], [1], [0, 0, 1, 1], [], []>, transpose_lhs_hint = false} : vector<256x32xf32>, vector<32x256xf32>, vector<256x256xf32> -> vector<256x256xf32>
      %mul3A_75 = arith.mulf %slice3A, %slice3A : vector<256x32xf32>
      %reduce_sum3A = arith.constant dense<0.000000e+00> : vector<256xf32>
      %reduce_sum3A_76 = vector.multi_reduction <add>, %mul3A_75, %reduce_sum3A [1] : vector<256x32xf32> to vector<256xf32>
      %broadcast_in_dim3A = vector.shape_cast %reduce_sum3A_76 : vector<256xf32> to vector<256x1xf32>
      %mul3A_77 = arith.mulf %get3A_73, %get3A_73 : vector<32x256xf32>
      %reduce_sum3A_78 = arith.constant dense<0.000000e+00> : vector<256xf32>
      %reduce_sum3A_79 = vector.multi_reduction <add>, %mul3A_77, %reduce_sum3A_78 [0] : vector<32x256xf32> to vector<256xf32>
      %broadcast_in_dim3A_80 = vector.shape_cast %reduce_sum3A_79 : vector<256xf32> to vector<1x256xf32>
      %mul3A_81 = arith.constant 2.000000e+00 : f32
      %mul3A_82 = vector.broadcast %mul3A_81 : f32 to vector<256x256xf32>
      %mul3A_83 = arith.mulf %mul3A_82, %dot_general3A_74 : vector<256x256xf32>
      %sub3A = vector.broadcast %broadcast_in_dim3A : vector<256x1xf32> to vector<256x256xf32>
      %sub3A_84 = arith.subf %mul3A_83, %sub3A : vector<256x256xf32>
      %sub3A_85 = vector.broadcast %broadcast_in_dim3A_80 : vector<1x256xf32> to vector<256x256xf32>
      %sub3A_86 = arith.subf %sub3A_84, %sub3A_85 : vector<256x256xf32>
      %get3A_87 = arith.constant 0 : index
      %get3A_88 = arith.constant 0 : index
      %get3A_89 = arith.constant 0 : index
      %get3A_90 = vector.load %arg7[%get3A_87, %get3A_88, %get3A_89] : memref<8x256x256xf32, #tpu.memory_space<vmem>>, vector<1x256x256xf32>
      %get3A_91 = vector.shape_cast %get3A_90 : vector<1x256x256xf32> to vector<256x256xf32>
      %broadcast_in_dim3A_92 = vector.shape_cast %and3A : vector<256x1xi1> to vector<256x1xi1>
      %broadcast_in_dim3A_93 = vector.broadcast %broadcast_in_dim3A_92 : vector<256x1xi1> to vector<256x256xi1>
      %select_n3A = arith.select %broadcast_in_dim3A_93, %sub3A_86, %get3A_91 : vector<256x256xi1>, vector<256x256xf32>
      %swap3A = arith.constant 0 : index
      %swap3A_94 = arith.constant 0 : index
      %swap3A_95 = arith.constant 0 : index
      %swap3A_96 = vector.load %arg7[%swap3A, %swap3A_94, %swap3A_95] : memref<8x256x256xf32, #tpu.memory_space<vmem>>, vector<1x256x256xf32>
      %swap3A_97 = vector.shape_cast %swap3A_96 : vector<1x256x256xf32> to vector<256x256xf32>
      %swap3A_98 = vector.shape_cast %select_n3A : vector<256x256xf32> to vector<1x256x256xf32>
      tpu.vector_store %arg7[%swap3A, %swap3A_94, %swap3A_95], %swap3A_98 {strides = array<i32>} : memref<8x256x256xf32, #tpu.memory_space<vmem>>, vector<1x256x256xf32>,
      %slice3A_99 = vector.extract_strided_slice %get3A_2 {offsets = [0, 32], sizes = [256, 32], strides = [1, 1]} : vector<256x256xf32> to vector<256x32xf32>
      %get3A_100 = arith.index_cast %rem3A_35 : i32 to index
      %get3A_101 = arith.constant 1 : index
      %get3A_102 = arith.constant 0 : index
      %get3A_103 = arith.constant 0 : index
      %get3A_104 = vector.load %arg8[%get3A_100, %get3A_101, %get3A_102, %get3A_103] : memref<2x8x32x256xf32, #tpu.memory_space<vmem>>, vector<1x1x32x256xf32>
      %get3A_105 = vector.shape_cast %get3A_104 : vector<1x1x32x256xf32> to vector<32x256xf32>
      %dot_general3A_106 = arith.constant dense<0.000000e+00> : vector<256x256xf32>
      %dot_general3A_107 = tpu.matmul %slice3A_99, %get3A_105, %dot_general3A_106 {dimension_numbers = #tpu.dot_dimension_numbers<[1], [0], [0], [1], [0, 0, 1, 1], [], []>, transpose_lhs_hint = false} : vector<256x32xf32>, vector<32x256xf32>, vector<256x256xf32> -> vector<256x256xf32>
      %mul3A_108 = arith.mulf %slice3A_99, %slice3A_99 : vector<256x32xf32>
      %reduce_sum3A_109 = arith.constant dense<0.000000e+00> : vector<256xf32>
      %reduce_sum3A_110 = vector.multi_reduction <add>, %mul3A_108, %reduce_sum3A_109 [1] : vector<256x32xf32> to vector<256xf32>
      %broadcast_in_dim3A_111 = vector.shape_cast %reduce_sum3A_110 : vector<256xf32> to vector<256x1xf32>
      %mul3A_112 = arith.mulf %get3A_105, %get3A_105 : vector<32x256xf32>
      %reduce_sum3A_113 = arith.constant dense<0.000000e+00> : vector<256xf32>
      %reduce_sum3A_114 = vector.multi_reduction <add>, %mul3A_112, %reduce_sum3A_113 [0] : vector<32x256xf32> to vector<256xf32>
      %broadcast_in_dim3A_115 = vector.shape_cast %reduce_sum3A_114 : vector<256xf32> to vector<1x256xf32>
      %mul3A_116 = arith.constant 2.000000e+00 : f32
      %mul3A_117 = vector.broadcast %mul3A_116 : f32 to vector<256x256xf32>
      %mul3A_118 = arith.mulf %mul3A_117, %dot_general3A_107 : vector<256x256xf32>
      %sub3A_119 = vector.broadcast %broadcast_in_dim3A_111 : vector<256x1xf32> to vector<256x256xf32>
      %sub3A_120 = arith.subf %mul3A_118, %sub3A_119 : vector<256x256xf32>
      %sub3A_121 = vector.broadcast %broadcast_in_dim3A_115 : vector<1x256xf32> to vector<256x256xf32>
      %sub3A_122 = arith.subf %sub3A_120, %sub3A_121 : vector<256x256xf32>
      %get3A_123 = arith.constant 1 : index
      %get3A_124 = arith.constant 0 : index
      %get3A_125 = arith.constant 0 : index
      %get3A_126 = vector.load %arg7[%get3A_123, %get3A_124, %get3A_125] : memref<8x256x256xf32, #tpu.memory_space<vmem>>, vector<1x256x256xf32>
      %get3A_127 = vector.shape_cast %get3A_126 : vector<1x256x256xf32> to vector<256x256xf32>
      %broadcast_in_dim3A_128 = vector.shape_cast %and3A : vector<256x1xi1> to vector<256x1xi1>
      %broadcast_in_dim3A_129 = vector.broadcast %broadcast_in_dim3A_128 : vector<256x1xi1> to vector<256x256xi1>
      %select_n3A_130 = arith.select %broadcast_in_dim3A_129, %sub3A_122, %get3A_127 : vector<256x256xi1>, vector<256x256xf32>
      %swap3A_131 = arith.constant 1 : index
      %swap3A_132 = arith.constant 0 : index
      %swap3A_133 = arith.constant 0 : index
      %swap3A_134 = vector.load %arg7[%swap3A_131, %swap3A_132, %swap3A_133] : memref<8x256x256xf32, #tpu.memory_space<vmem>>, vector<1x256x256xf32>
      %swap3A_135 = vector.shape_cast %swap3A_134 : vector<1x256x256xf32> to vector<256x256xf32>
      %swap3A_136 = vector.shape_cast %select_n3A_130 : vector<256x256xf32> to vector<1x256x256xf32>
      tpu.vector_store %arg7[%swap3A_131, %swap3A_132, %swap3A_133], %swap3A_136 {strides = array<i32>} : memref<8x256x256xf32, #tpu.memory_space<vmem>>, vector<1x256x256xf32>,
      %slice3A_137 = vector.extract_strided_slice %get3A_2 {offsets = [0, 64], sizes = [256, 32], strides = [1, 1]} : vector<256x256xf32> to vector<256x32xf32>
      %get3A_138 = arith.index_cast %rem3A_35 : i32 to index
      %get3A_139 = arith.constant 2 : index
      %get3A_140 = arith.constant 0 : index
      %get3A_141 = arith.constant 0 : index
      %get3A_142 = vector.load %arg8[%get3A_138, %get3A_139, %get3A_140, %get3A_141] : memref<2x8x32x256xf32, #tpu.memory_space<vmem>>, vector<1x1x32x256xf32>
      %get3A_143 = vector.shape_cast %get3A_142 : vector<1x1x32x256xf32> to vector<32x256xf32>
      %dot_general3A_144 = arith.constant dense<0.000000e+00> : vector<256x256xf32>
      %dot_general3A_145 = tpu.matmul %slice3A_137, %get3A_143, %dot_general3A_144 {dimension_numbers = #tpu.dot_dimension_numbers<[1], [0], [0], [1], [0, 0, 1, 1], [], []>, transpose_lhs_hint = false} : vector<256x32xf32>, vector<32x256xf32>, vector<256x256xf32> -> vector<256x256xf32>
      %mul3A_146 = arith.mulf %slice3A_137, %slice3A_137 : vector<256x32xf32>
      %reduce_sum3A_147 = arith.constant dense<0.000000e+00> : vector<256xf32>
      %reduce_sum3A_148 = vector.multi_reduction <add>, %mul3A_146, %reduce_sum3A_147 [1] : vector<256x32xf32> to vector<256xf32>
      %broadcast_in_dim3A_149 = vector.shape_cast %reduce_sum3A_148 : vector<256xf32> to vector<256x1xf32>
      %mul3A_150 = arith.mulf %get3A_143, %get3A_143 : vector<32x256xf32>
      %reduce_sum3A_151 = arith.constant dense<0.000000e+00> : vector<256xf32>
      %reduce_sum3A_152 = vector.multi_reduction <add>, %mul3A_150, %reduce_sum3A_151 [0] : vector<32x256xf32> to vector<256xf32>
      %broadcast_in_dim3A_153 = vector.shape_cast %reduce_sum3A_152 : vector<256xf32> to vector<1x256xf32>
      %mul3A_154 = arith.constant 2.000000e+00 : f32
      %mul3A_155 = vector.broadcast %mul3A_154 : f32 to vector<256x256xf32>
      %mul3A_156 = arith.mulf %mul3A_155, %dot_general3A_145 : vector<256x256xf32>
      %sub3A_157 = vector.broadcast %broadcast_in_dim3A_149 : vector<256x1xf32> to vector<256x256xf32>
      %sub3A_158 = arith.subf %mul3A_156, %sub3A_157 : vector<256x256xf32>
      %sub3A_159 = vector.broadcast %broadcast_in_dim3A_153 : vector<1x256xf32> to vector<256x256xf32>
      %sub3A_160 = arith.subf %sub3A_158, %sub3A_159 : vector<256x256xf32>
      %get3A_161 = arith.constant 2 : index
      %get3A_162 = arith.constant 0 : index
      %get3A_163 = arith.constant 0 : index
      %get3A_164 = vector.load %arg7[%get3A_161, %get3A_162, %get3A_163] : memref<8x256x256xf32, #tpu.memory_space<vmem>>, vector<1x256x256xf32>
      %get3A_165 = vector.shape_cast %get3A_164 : vector<1x256x256xf32> to vector<256x256xf32>
      %broadcast_in_dim3A_166 = vector.shape_cast %and3A : vector<256x1xi1> to vector<256x1xi1>
      %broadcast_in_dim3A_167 = vector.broadcast %broadcast_in_dim3A_166 : vector<256x1xi1> to vector<256x256xi1>
      %select_n3A_168 = arith.select %broadcast_in_dim3A_167, %sub3A_160, %get3A_165 : vector<256x256xi1>, vector<256x256xf32>
      %swap3A_169 = arith.constant 2 : index
      %swap3A_170 = arith.constant 0 : index
      %swap3A_171 = arith.constant 0 : index
      %swap3A_172 = vector.load %arg7[%swap3A_169, %swap3A_170, %swap3A_171] : memref<8x256x256xf32, #tpu.memory_space<vmem>>, vector<1x256x256xf32>
      %swap3A_173 = vector.shape_cast %swap3A_172 : vector<1x256x256xf32> to vector<256x256xf32>
      %swap3A_174 = vector.shape_cast %select_n3A_168 : vector<256x256xf32> to vector<1x256x256xf32>
      tpu.vector_store %arg7[%swap3A_169, %swap3A_170, %swap3A_171], %swap3A_174 {strides = array<i32>} : memref<8x256x256xf32, #tpu.memory_space<vmem>>, vector<1x256x256xf32>,
      %slice3A_175 = vector.extract_strided_slice %get3A_2 {offsets = [0, 96], sizes = [256, 32], strides = [1, 1]} : vector<256x256xf32> to vector<256x32xf32>
      %get3A_176 = arith.index_cast %rem3A_35 : i32 to index
      %get3A_177 = arith.constant 3 : index
      %get3A_178 = arith.constant 0 : index
      %get3A_179 = arith.constant 0 : index
      %get3A_180 = vector.load %arg8[%get3A_176, %get3A_177, %get3A_178, %get3A_179] : memref<2x8x32x256xf32, #tpu.memory_space<vmem>>, vector<1x1x32x256xf32>
      %get3A_181 = vector.shape_cast %get3A_180 : vector<1x1x32x256xf32> to vector<32x256xf32>
      %dot_general3A_182 = arith.constant dense<0.000000e+00> : vector<256x256xf32>
      %dot_general3A_183 = tpu.matmul %slice3A_175, %get3A_181, %dot_general3A_182 {dimension_numbers = #tpu.dot_dimension_numbers<[1], [0], [0], [1], [0, 0, 1, 1], [], []>, transpose_lhs_hint = false} : vector<256x32xf32>, vector<32x256xf32>, vector<256x256xf32> -> vector<256x256xf32>
      %mul3A_184 = arith.mulf %slice3A_175, %slice3A_175 : vector<256x32xf32>
      %reduce_sum3A_185 = arith.constant dense<0.000000e+00> : vector<256xf32>
      %reduce_sum3A_186 = vector.multi_reduction <add>, %mul3A_184, %reduce_sum3A_185 [1] : vector<256x32xf32> to vector<256xf32>
      %broadcast_in_dim3A_187 = vector.shape_cast %reduce_sum3A_186 : vector<256xf32> to vector<256x1xf32>
      %mul3A_188 = arith.mulf %get3A_181, %get3A_181 : vector<32x256xf32>
      %reduce_sum3A_189 = arith.constant dense<0.000000e+00> : vector<256xf32>
      %reduce_sum3A_190 = vector.multi_reduction <add>, %mul3A_188, %reduce_sum3A_189 [0] : vector<32x256xf32> to vector<256xf32>
      %broadcast_in_dim3A_191 = vector.shape_cast %reduce_sum3A_190 : vector<256xf32> to vector<1x256xf32>
      %mul3A_192 = arith.constant 2.000000e+00 : f32
      %mul3A_193 = vector.broadcast %mul3A_192 : f32 to vector<256x256xf32>
      %mul3A_194 = arith.mulf %mul3A_193, %dot_general3A_183 : vector<256x256xf32>
      %sub3A_195 = vector.broadcast %broadcast_in_dim3A_187 : vector<256x1xf32> to vector<256x256xf32>
      %sub3A_196 = arith.subf %mul3A_194, %sub3A_195 : vector<256x256xf32>
      %sub3A_197 = vector.broadcast %broadcast_in_dim3A_191 : vector<1x256xf32> to vector<256x256xf32>
      %sub3A_198 = arith.subf %sub3A_196, %sub3A_197 : vector<256x256xf32>
      %get3A_199 = arith.constant 3 : index
      %get3A_200 = arith.constant 0 : index
      %get3A_201 = arith.constant 0 : index
      %get3A_202 = vector.load %arg7[%get3A_199, %get3A_200, %get3A_201] : memref<8x256x256xf32, #tpu.memory_space<vmem>>, vector<1x256x256xf32>
      %get3A_203 = vector.shape_cast %get3A_202 : vector<1x256x256xf32> to vector<256x256xf32>
      %broadcast_in_dim3A_204 = vector.shape_cast %and3A : vector<256x1xi1> to vector<256x1xi1>
      %broadcast_in_dim3A_205 = vector.broadcast %broadcast_in_dim3A_204 : vector<256x1xi1> to vector<256x256xi1>
      %select_n3A_206 = arith.select %broadcast_in_dim3A_205, %sub3A_198, %get3A_203 : vector<256x256xi1>, vector<256x256xf32>
      %swap3A_207 = arith.constant 3 : index
      %swap3A_208 = arith.constant 0 : index
      %swap3A_209 = arith.constant 0 : index
      %swap3A_210 = vector.load %arg7[%swap3A_207, %swap3A_208, %swap3A_209] : memref<8x256x256xf32, #tpu.memory_space<vmem>>, vector<1x256x256xf32>
      %swap3A_211 = vector.shape_cast %swap3A_210 : vector<1x256x256xf32> to vector<256x256xf32>
      %swap3A_212 = vector.shape_cast %select_n3A_206 : vector<256x256xf32> to vector<1x256x256xf32>
      tpu.vector_store %arg7[%swap3A_207, %swap3A_208, %swap3A_209], %swap3A_212 {strides = array<i32>} : memref<8x256x256xf32, #tpu.memory_space<vmem>>, vector<1x256x256xf32>,
      %slice3A_213 = vector.extract_strided_slice %get3A_2 {offsets = [0, 128], sizes = [256, 32], strides = [1, 1]} : vector<256x256xf32> to vector<256x32xf32>
      %get3A_214 = arith.index_cast %rem3A_35 : i32 to index
      %get3A_215 = arith.constant 4 : index
      %get3A_216 = arith.constant 0 : index
      %get3A_217 = arith.constant 0 : index
      %get3A_218 = vector.load %arg8[%get3A_214, %get3A_215, %get3A_216, %get3A_217] : memref<2x8x32x256xf32, #tpu.memory_space<vmem>>, vector<1x1x32x256xf32>
      %get3A_219 = vector.shape_cast %get3A_218 : vector<1x1x32x256xf32> to vector<32x256xf32>
      %dot_general3A_220 = arith.constant dense<0.000000e+00> : vector<256x256xf32>
      %dot_general3A_221 = tpu.matmul %slice3A_213, %get3A_219, %dot_general3A_220 {dimension_numbers = #tpu.dot_dimension_numbers<[1], [0], [0], [1], [0, 0, 1, 1], [], []>, transpose_lhs_hint = false} : vector<256x32xf32>, vector<32x256xf32>, vector<256x256xf32> -> vector<256x256xf32>
      %mul3A_222 = arith.mulf %slice3A_213, %slice3A_213 : vector<256x32xf32>
      %reduce_sum3A_223 = arith.constant dense<0.000000e+00> : vector<256xf32>
      %reduce_sum3A_224 = vector.multi_reduction <add>, %mul3A_222, %reduce_sum3A_223 [1] : vector<256x32xf32> to vector<256xf32>
      %broadcast_in_dim3A_225 = vector.shape_cast %reduce_sum3A_224 : vector<256xf32> to vector<256x1xf32>
      %mul3A_226 = arith.mulf %get3A_219, %get3A_219 : vector<32x256xf32>
      %reduce_sum3A_227 = arith.constant dense<0.000000e+00> : vector<256xf32>
      %reduce_sum3A_228 = vector.multi_reduction <add>, %mul3A_226, %reduce_sum3A_227 [0] : vector<32x256xf32> to vector<256xf32>
      %broadcast_in_dim3A_229 = vector.shape_cast %reduce_sum3A_228 : vector<256xf32> to vector<1x256xf32>
      %mul3A_230 = arith.constant 2.000000e+00 : f32
      %mul3A_231 = vector.broadcast %mul3A_230 : f32 to vector<256x256xf32>
      %mul3A_232 = arith.mulf %mul3A_231, %dot_general3A_221 : vector<256x256xf32>
      %sub3A_233 = vector.broadcast %broadcast_in_dim3A_225 : vector<256x1xf32> to vector<256x256xf32>
      %sub3A_234 = arith.subf %mul3A_232, %sub3A_233 : vector<256x256xf32>
      %sub3A_235 = vector.broadcast %broadcast_in_dim3A_229 : vector<1x256xf32> to vector<256x256xf32>
      %sub3A_236 = arith.subf %sub3A_234, %sub3A_235 : vector<256x256xf32>
      %get3A_237 = arith.constant 4 : index
      %get3A_238 = arith.constant 0 : index
      %get3A_239 = arith.constant 0 : index
      %get3A_240 = vector.load %arg7[%get3A_237, %get3A_238, %get3A_239] : memref<8x256x256xf32, #tpu.memory_space<vmem>>, vector<1x256x256xf32>
      %get3A_241 = vector.shape_cast %get3A_240 : vector<1x256x256xf32> to vector<256x256xf32>
      %broadcast_in_dim3A_242 = vector.shape_cast %and3A : vector<256x1xi1> to vector<256x1xi1>
      %broadcast_in_dim3A_243 = vector.broadcast %broadcast_in_dim3A_242 : vector<256x1xi1> to vector<256x256xi1>
      %select_n3A_244 = arith.select %broadcast_in_dim3A_243, %sub3A_236, %get3A_241 : vector<256x256xi1>, vector<256x256xf32>
      %swap3A_245 = arith.constant 4 : index
      %swap3A_246 = arith.constant 0 : index
      %swap3A_247 = arith.constant 0 : index
      %swap3A_248 = vector.load %arg7[%swap3A_245, %swap3A_246, %swap3A_247] : memref<8x256x256xf32, #tpu.memory_space<vmem>>, vector<1x256x256xf32>
      %swap3A_249 = vector.shape_cast %swap3A_248 : vector<1x256x256xf32> to vector<256x256xf32>
      %swap3A_250 = vector.shape_cast %select_n3A_244 : vector<256x256xf32> to vector<1x256x256xf32>
      tpu.vector_store %arg7[%swap3A_245, %swap3A_246, %swap3A_247], %swap3A_250 {strides = array<i32>} : memref<8x256x256xf32, #tpu.memory_space<vmem>>, vector<1x256x256xf32>,
      %slice3A_251 = vector.extract_strided_slice %get3A_2 {offsets = [0, 160], sizes = [256, 32], strides = [1, 1]} : vector<256x256xf32> to vector<256x32xf32>
      %get3A_252 = arith.index_cast %rem3A_35 : i32 to index
      %get3A_253 = arith.constant 5 : index
      %get3A_254 = arith.constant 0 : index
      %get3A_255 = arith.constant 0 : index
      %get3A_256 = vector.load %arg8[%get3A_252, %get3A_253, %get3A_254, %get3A_255] : memref<2x8x32x256xf32, #tpu.memory_space<vmem>>, vector<1x1x32x256xf32>
      %get3A_257 = vector.shape_cast %get3A_256 : vector<1x1x32x256xf32> to vector<32x256xf32>
      %dot_general3A_258 = arith.constant dense<0.000000e+00> : vector<256x256xf32>
      %dot_general3A_259 = tpu.matmul %slice3A_251, %get3A_257, %dot_general3A_258 {dimension_numbers = #tpu.dot_dimension_numbers<[1], [0], [0], [1], [0, 0, 1, 1], [], []>, transpose_lhs_hint = false} : vector<256x32xf32>, vector<32x256xf32>, vector<256x256xf32> -> vector<256x256xf32>
      %mul3A_260 = arith.mulf %slice3A_251, %slice3A_251 : vector<256x32xf32>
      %reduce_sum3A_261 = arith.constant dense<0.000000e+00> : vector<256xf32>
      %reduce_sum3A_262 = vector.multi_reduction <add>, %mul3A_260, %reduce_sum3A_261 [1] : vector<256x32xf32> to vector<256xf32>
      %broadcast_in_dim3A_263 = vector.shape_cast %reduce_sum3A_262 : vector<256xf32> to vector<256x1xf32>
      %mul3A_264 = arith.mulf %get3A_257, %get3A_257 : vector<32x256xf32>
      %reduce_sum3A_265 = arith.constant dense<0.000000e+00> : vector<256xf32>
      %reduce_sum3A_266 = vector.multi_reduction <add>, %mul3A_264, %reduce_sum3A_265 [0] : vector<32x256xf32> to vector<256xf32>
      %broadcast_in_dim3A_267 = vector.shape_cast %reduce_sum3A_266 : vector<256xf32> to vector<1x256xf32>
      %mul3A_268 = arith.constant 2.000000e+00 : f32
      %mul3A_269 = vector.broadcast %mul3A_268 : f32 to vector<256x256xf32>
      %mul3A_270 = arith.mulf %mul3A_269, %dot_general3A_259 : vector<256x256xf32>
      %sub3A_271 = vector.broadcast %broadcast_in_dim3A_263 : vector<256x1xf32> to vector<256x256xf32>
      %sub3A_272 = arith.subf %mul3A_270, %sub3A_271 : vector<256x256xf32>
      %sub3A_273 = vector.broadcast %broadcast_in_dim3A_267 : vector<1x256xf32> to vector<256x256xf32>
      %sub3A_274 = arith.subf %sub3A_272, %sub3A_273 : vector<256x256xf32>
      %get3A_275 = arith.constant 5 : index
      %get3A_276 = arith.constant 0 : index
      %get3A_277 = arith.constant 0 : index
      %get3A_278 = vector.load %arg7[%get3A_275, %get3A_276, %get3A_277] : memref<8x256x256xf32, #tpu.memory_space<vmem>>, vector<1x256x256xf32>
      %get3A_279 = vector.shape_cast %get3A_278 : vector<1x256x256xf32> to vector<256x256xf32>
      %broadcast_in_dim3A_280 = vector.shape_cast %and3A : vector<256x1xi1> to vector<256x1xi1>
      %broadcast_in_dim3A_281 = vector.broadcast %broadcast_in_dim3A_280 : vector<256x1xi1> to vector<256x256xi1>
      %select_n3A_282 = arith.select %broadcast_in_dim3A_281, %sub3A_274, %get3A_279 : vector<256x256xi1>, vector<256x256xf32>
      %swap3A_283 = arith.constant 5 : index
      %swap3A_284 = arith.constant 0 : index
      %swap3A_285 = arith.constant 0 : index
      %swap3A_286 = vector.load %arg7[%swap3A_283, %swap3A_284, %swap3A_285] : memref<8x256x256xf32, #tpu.memory_space<vmem>>, vector<1x256x256xf32>
      %swap3A_287 = vector.shape_cast %swap3A_286 : vector<1x256x256xf32> to vector<256x256xf32>
      %swap3A_288 = vector.shape_cast %select_n3A_282 : vector<256x256xf32> to vector<1x256x256xf32>
      tpu.vector_store %arg7[%swap3A_283, %swap3A_284, %swap3A_285], %swap3A_288 {strides = array<i32>} : memref<8x256x256xf32, #tpu.memory_space<vmem>>, vector<1x256x256xf32>,
      %slice3A_289 = vector.extract_strided_slice %get3A_2 {offsets = [0, 192], sizes = [256, 32], strides = [1, 1]} : vector<256x256xf32> to vector<256x32xf32>
      %get3A_290 = arith.index_cast %rem3A_35 : i32 to index
      %get3A_291 = arith.constant 6 : index
      %get3A_292 = arith.constant 0 : index
      %get3A_293 = arith.constant 0 : index
      %get3A_294 = vector.load %arg8[%get3A_290, %get3A_291, %get3A_292, %get3A_293] : memref<2x8x32x256xf32, #tpu.memory_space<vmem>>, vector<1x1x32x256xf32>
      %get3A_295 = vector.shape_cast %get3A_294 : vector<1x1x32x256xf32> to vector<32x256xf32>
      %dot_general3A_296 = arith.constant dense<0.000000e+00> : vector<256x256xf32>
      %dot_general3A_297 = tpu.matmul %slice3A_289, %get3A_295, %dot_general3A_296 {dimension_numbers = #tpu.dot_dimension_numbers<[1], [0], [0], [1], [0, 0, 1, 1], [], []>, transpose_lhs_hint = false} : vector<256x32xf32>, vector<32x256xf32>, vector<256x256xf32> -> vector<256x256xf32>
      %mul3A_298 = arith.mulf %slice3A_289, %slice3A_289 : vector<256x32xf32>
      %reduce_sum3A_299 = arith.constant dense<0.000000e+00> : vector<256xf32>
      %reduce_sum3A_300 = vector.multi_reduction <add>, %mul3A_298, %reduce_sum3A_299 [1] : vector<256x32xf32> to vector<256xf32>
      %broadcast_in_dim3A_301 = vector.shape_cast %reduce_sum3A_300 : vector<256xf32> to vector<256x1xf32>
      %mul3A_302 = arith.mulf %get3A_295, %get3A_295 : vector<32x256xf32>
      %reduce_sum3A_303 = arith.constant dense<0.000000e+00> : vector<256xf32>
      %reduce_sum3A_304 = vector.multi_reduction <add>, %mul3A_302, %reduce_sum3A_303 [0] : vector<32x256xf32> to vector<256xf32>
      %broadcast_in_dim3A_305 = vector.shape_cast %reduce_sum3A_304 : vector<256xf32> to vector<1x256xf32>
      %mul3A_306 = arith.constant 2.000000e+00 : f32
      %mul3A_307 = vector.broadcast %mul3A_306 : f32 to vector<256x256xf32>
      %mul3A_308 = arith.mulf %mul3A_307, %dot_general3A_297 : vector<256x256xf32>
      %sub3A_309 = vector.broadcast %broadcast_in_dim3A_301 : vector<256x1xf32> to vector<256x256xf32>
      %sub3A_310 = arith.subf %mul3A_308, %sub3A_309 : vector<256x256xf32>
      %sub3A_311 = vector.broadcast %broadcast_in_dim3A_305 : vector<1x256xf32> to vector<256x256xf32>
      %sub3A_312 = arith.subf %sub3A_310, %sub3A_311 : vector<256x256xf32>
      %get3A_313 = arith.constant 6 : index
      %get3A_314 = arith.constant 0 : index
      %get3A_315 = arith.constant 0 : index
      %get3A_316 = vector.load %arg7[%get3A_313, %get3A_314, %get3A_315] : memref<8x256x256xf32, #tpu.memory_space<vmem>>, vector<1x256x256xf32>
      %get3A_317 = vector.shape_cast %get3A_316 : vector<1x256x256xf32> to vector<256x256xf32>
      %broadcast_in_dim3A_318 = vector.shape_cast %and3A : vector<256x1xi1> to vector<256x1xi1>
      %broadcast_in_dim3A_319 = vector.broadcast %broadcast_in_dim3A_318 : vector<256x1xi1> to vector<256x256xi1>
      %select_n3A_320 = arith.select %broadcast_in_dim3A_319, %sub3A_312, %get3A_317 : vector<256x256xi1>, vector<256x256xf32>
      %swap3A_321 = arith.constant 6 : index
      %swap3A_322 = arith.constant 0 : index
      %swap3A_323 = arith.constant 0 : index
      %swap3A_324 = vector.load %arg7[%swap3A_321, %swap3A_322, %swap3A_323] : memref<8x256x256xf32, #tpu.memory_space<vmem>>, vector<1x256x256xf32>
      %swap3A_325 = vector.shape_cast %swap3A_324 : vector<1x256x256xf32> to vector<256x256xf32>
      %swap3A_326 = vector.shape_cast %select_n3A_320 : vector<256x256xf32> to vector<1x256x256xf32>
      tpu.vector_store %arg7[%swap3A_321, %swap3A_322, %swap3A_323], %swap3A_326 {strides = array<i32>} : memref<8x256x256xf32, #tpu.memory_space<vmem>>, vector<1x256x256xf32>,
      %slice3A_327 = vector.extract_strided_slice %get3A_2 {offsets = [0, 224], sizes = [256, 32], strides = [1, 1]} : vector<256x256xf32> to vector<256x32xf32>
      %get3A_328 = arith.index_cast %rem3A_35 : i32 to index
      %get3A_329 = arith.constant 7 : index
      %get3A_330 = arith.constant 0 : index
      %get3A_331 = arith.constant 0 : index
      %get3A_332 = vector.load %arg8[%get3A_328, %get3A_329, %get3A_330, %get3A_331] : memref<2x8x32x256xf32, #tpu.memory_space<vmem>>, vector<1x1x32x256xf32>
      %get3A_333 = vector.shape_cast %get3A_332 : vector<1x1x32x256xf32> to vector<32x256xf32>
      %dot_general3A_334 = arith.constant dense<0.000000e+00> : vector<256x256xf32>
      %dot_general3A_335 = tpu.matmul %slice3A_327, %get3A_333, %dot_general3A_334 {dimension_numbers = #tpu.dot_dimension_numbers<[1], [0], [0], [1], [0, 0, 1, 1], [], []>, transpose_lhs_hint = false} : vector<256x32xf32>, vector<32x256xf32>, vector<256x256xf32> -> vector<256x256xf32>
      %mul3A_336 = arith.mulf %slice3A_327, %slice3A_327 : vector<256x32xf32>
      %reduce_sum3A_337 = arith.constant dense<0.000000e+00> : vector<256xf32>
      %reduce_sum3A_338 = vector.multi_reduction <add>, %mul3A_336, %reduce_sum3A_337 [1] : vector<256x32xf32> to vector<256xf32>
      %broadcast_in_dim3A_339 = vector.shape_cast %reduce_sum3A_338 : vector<256xf32> to vector<256x1xf32>
      %mul3A_340 = arith.mulf %get3A_333, %get3A_333 : vector<32x256xf32>
      %reduce_sum3A_341 = arith.constant dense<0.000000e+00> : vector<256xf32>
      %reduce_sum3A_342 = vector.multi_reduction <add>, %mul3A_340, %reduce_sum3A_341 [0] : vector<32x256xf32> to vector<256xf32>
      %broadcast_in_dim3A_343 = vector.shape_cast %reduce_sum3A_342 : vector<256xf32> to vector<1x256xf32>
      %mul3A_344 = arith.constant 2.000000e+00 : f32
      %mul3A_345 = vector.broadcast %mul3A_344 : f32 to vector<256x256xf32>
      %mul3A_346 = arith.mulf %mul3A_345, %dot_general3A_335 : vector<256x256xf32>
      %sub3A_347 = vector.broadcast %broadcast_in_dim3A_339 : vector<256x1xf32> to vector<256x256xf32>
      %sub3A_348 = arith.subf %mul3A_346, %sub3A_347 : vector<256x256xf32>
      %sub3A_349 = vector.broadcast %broadcast_in_dim3A_343 : vector<1x256xf32> to vector<256x256xf32>
      %sub3A_350 = arith.subf %sub3A_348, %sub3A_349 : vector<256x256xf32>
      %get3A_351 = arith.constant 7 : index
      %get3A_352 = arith.constant 0 : index
      %get3A_353 = arith.constant 0 : index
      %get3A_354 = vector.load %arg7[%get3A_351, %get3A_352, %get3A_353] : memref<8x256x256xf32, #tpu.memory_space<vmem>>, vector<1x256x256xf32>
      %get3A_355 = vector.shape_cast %get3A_354 : vector<1x256x256xf32> to vector<256x256xf32>
      %broadcast_in_dim3A_356 = vector.shape_cast %and3A : vector<256x1xi1> to vector<256x1xi1>
      %broadcast_in_dim3A_357 = vector.broadcast %broadcast_in_dim3A_356 : vector<256x1xi1> to vector<256x256xi1>
      %select_n3A_358 = arith.select %broadcast_in_dim3A_357, %sub3A_350, %get3A_355 : vector<256x256xi1>, vector<256x256xf32>
      %swap3A_359 = arith.constant 7 : index
      %swap3A_360 = arith.constant 0 : index
      %swap3A_361 = arith.constant 0 : index
      %swap3A_362 = vector.load %arg7[%swap3A_359, %swap3A_360, %swap3A_361] : memref<8x256x256xf32, #tpu.memory_space<vmem>>, vector<1x256x256xf32>
      %swap3A_363 = vector.shape_cast %swap3A_362 : vector<1x256x256xf32> to vector<256x256xf32>
      %swap3A_364 = vector.shape_cast %select_n3A_358 : vector<256x256xf32> to vector<1x256x256xf32>
      tpu.vector_store %arg7[%swap3A_359, %swap3A_360, %swap3A_361], %swap3A_364 {strides = array<i32>} : memref<8x256x256xf32, #tpu.memory_space<vmem>>, vector<1x256x256xf32>,
    }
    %while3A_33 = arith.constant 1 : i32
    scf.for %while3A_34 = %while3A_31 to %while3A_27 step %while3A_33  : i32 {
      %rem3A = arith.constant 2 : i32
      %rem3A_35 = arith.remsi %while3A_34, %rem3A : i32
      %add3A_36 = arith.constant 1 : i32
      %add3A_37 = arith.addi %while3A_34, %add3A_36 : i32
      %lt3A = arith.cmpi slt, %add3A_37, %get3A_7 : i32
      %convert_element_type3A = arith.extui %lt3A : i1 to i32
      %cond3A = arith.constant 0 : i32
      %cond3A_38 = arith.cmpi ne, %convert_element_type3A, %cond3A : i32
      scf.if %cond3A_38 {
        %add3A_365 = arith.constant 1 : i32
        %add3A_366 = arith.addi %while3A_34, %add3A_365 : i32
        %sub3A_367 = arith.constant 1 : i32
        %sub3A_368 = arith.subi %sub3A_367, %rem3A_35 : i32
        %get3A_369 = arith.constant 0 : index
        %get3A_370 = arith.constant 0 : index
        %get3A_371 = arith.index_cast %add3A_366 : i32 to index
        %get3A_372 = memref.load %arg4[%get3A_369, %get3A_370, %get3A_371] : memref<1x1x64xi32, #tpu.memory_space<smem>>
        %dma_start3A_373 = tpu.memref_slice %arg9[%sub3A_368] : memref<2x!tpu.dma_semaphore, #tpu.memory_space<semaphore_mem>> -> memref<1x!tpu.dma_semaphore, #tpu.memory_space<semaphore_mem>>
        %dma_start3A_374 = tpu.memref_squeeze %dma_start3A_373 : memref<1x!tpu.dma_semaphore, #tpu.memory_space<semaphore_mem>> -> memref<!tpu.dma_semaphore, #tpu.memory_space<semaphore_mem>>
        %dma_start3A_375 = arith.constant 0 : i32
        %dma_start3A_376 = arith.constant 0 : i32
        %dma_start3A_377 = arith.constant 0 : i32
        %dma_start3A_378 = tpu.memref_slice %arg8[%sub3A_368, %dma_start3A_375, %dma_start3A_376, %dma_start3A_377] : memref<2x8x32x256xf32, #tpu.memory_space<vmem>> -> memref<1x8x32x256xf32, #tpu.memory_space<vmem>>
        %dma_start3A_379 = tpu.memref_squeeze %dma_start3A_378 : memref<1x8x32x256xf32, #tpu.memory_space<vmem>> -> memref<8x32x256xf32, #tpu.memory_space<vmem>>
        %dma_start3A_380 = arith.constant 0 : i32
        %dma_start3A_381 = arith.constant 0 : i32
        %dma_start3A_382 = arith.constant 0 : i32
        %dma_start3A_383 = tpu.memref_slice %arg6[%get3A_372, %dma_start3A_380, %dma_start3A_381, %dma_start3A_382] : memref<64x8x32x256xf32, #tpu.memory_space<hbm>> -> memref<1x8x32x256xf32, #tpu.memory_space<hbm>>
        %dma_start3A_384 = tpu.memref_squeeze %dma_start3A_383 : memref<1x8x32x256xf32, #tpu.memory_space<hbm>> -> memref<8x32x256xf32, #tpu.memory_space<hbm>>
        tpu.enqueue_dma source(%dma_start3A_384 : memref<8x32x256xf32, #tpu.memory_space<hbm>>) target(%dma_start3A_379 : memref<8x32x256xf32, #tpu.memory_space<vmem>>) target_semaphore(%dma_start3A_374 : memref<!tpu.dma_semaphore, #tpu.memory_space<semaphore_mem>>)
      } else {
      }
      %get3A_39 = arith.constant 0 : index
      %get3A_40 = arith.constant 0 : index
      %get3A_41 = arith.index_cast %while3A_34 : i32 to index
      %get3A_42 = memref.load %arg4[%get3A_39, %get3A_40, %get3A_41] : memref<1x1x64xi32, #tpu.memory_space<smem>>
      %dma_wait3A = tpu.memref_slice %arg9[%rem3A_35] : memref<2x!tpu.dma_semaphore, #tpu.memory_space<semaphore_mem>> -> memref<1x!tpu.dma_semaphore, #tpu.memory_space<semaphore_mem>>
      %dma_wait3A_43 = tpu.memref_squeeze %dma_wait3A : memref<1x!tpu.dma_semaphore, #tpu.memory_space<semaphore_mem>> -> memref<!tpu.dma_semaphore, #tpu.memory_space<semaphore_mem>>
      %dma_wait3A_44 = arith.constant 0 : i32
      %dma_wait3A_45 = arith.constant 0 : i32
      %dma_wait3A_46 = arith.constant 0 : i32
      %dma_wait3A_47 = tpu.memref_slice %arg8[%rem3A_35, %dma_wait3A_44, %dma_wait3A_45, %dma_wait3A_46] : memref<2x8x32x256xf32, #tpu.memory_space<vmem>> -> memref<1x8x32x256xf32, #tpu.memory_space<vmem>>
      %dma_wait3A_48 = tpu.memref_squeeze %dma_wait3A_47 : memref<1x8x32x256xf32, #tpu.memory_space<vmem>> -> memref<8x32x256xf32, #tpu.memory_space<vmem>>
      %dma_wait3A_49 = arith.constant 0 : i32
      %dma_wait3A_50 = arith.constant 0 : i32
      %dma_wait3A_51 = arith.constant 0 : i32
      %dma_wait3A_52 = tpu.memref_slice %arg6[%get3A_42, %dma_wait3A_49, %dma_wait3A_50, %dma_wait3A_51] : memref<64x8x32x256xf32, #tpu.memory_space<hbm>> -> memref<1x8x32x256xf32, #tpu.memory_space<hbm>>
      %dma_wait3A_53 = tpu.memref_squeeze %dma_wait3A_52 : memref<1x8x32x256xf32, #tpu.memory_space<hbm>> -> memref<8x32x256xf32, #tpu.memory_space<hbm>>
      tpu.wait_dma2 semaphore(%dma_wait3A_43 : memref<!tpu.dma_semaphore, #tpu.memory_space<semaphore_mem>>) src(%dma_wait3A_53 : memref<8x32x256xf32, #tpu.memory_space<hbm>>) dst(%dma_wait3A_48 : memref<8x32x256xf32, #tpu.memory_space<vmem>>)
      %get3A_54 = arith.constant 0 : index
      %get3A_55 = arith.constant 0 : index
      %get3A_56 = arith.index_cast %while3A_34 : i32 to index
      %get3A_57 = memref.load %arg4[%get3A_54, %get3A_55, %get3A_56] : memref<1x1x64xi32, #tpu.memory_space<smem>>
      %get3A_58 = arith.constant 0 : index
      %get3A_59 = arith.index_cast %get3A_57 : i32 to index
      %get3A_60 = memref.load %arg2[%get3A_58, %get3A_59] : memref<1x64xi32, #tpu.memory_space<smem>>
      %get3A_61 = arith.constant 0 : index
      %get3A_62 = arith.index_cast %get3A_57 : i32 to index
      %get3A_63 = memref.load %arg1[%get3A_61, %get3A_62] : memref<1x64xi32, #tpu.memory_space<smem>>
      %ge3A = vector.broadcast %get3A_60 : i32 to vector<256x1xi32>
      %ge3A_64 = arith.cmpi sge, %add3A_3, %ge3A : vector<256x1xi32>
      %add3A_65 = arith.addi %get3A_60, %get3A_63 : i32
      %lt3A_66 = vector.broadcast %add3A_65 : i32 to vector<256x1xi32>
      %lt3A_67 = arith.cmpi slt, %add3A_3, %lt3A_66 : vector<256x1xi32>
      %and3A = arith.andi %ge3A_64, %lt3A_67 : vector<256x1xi1>
      %slice3A = vector.extract_strided_slice %get3A_2 {offsets = [0, 0], sizes = [256, 32], strides = [1, 1]} : vector<256x256xf32> to vector<256x32xf32>
      %get3A_68 = arith.index_cast %rem3A_35 : i32 to index
      %get3A_69 = arith.constant 0 : index
      %get3A_70 = arith.constant 0 : index
      %get3A_71 = arith.constant 0 : index
      %get3A_72 = vector.load %arg8[%get3A_68, %get3A_69, %get3A_70, %get3A_71] : memref<2x8x32x256xf32, #tpu.memory_space<vmem>>, vector<1x1x32x256xf32>
      %get3A_73 = vector.shape_cast %get3A_72 : vector<1x1x32x256xf32> to vector<32x256xf32>
      %dot_general3A = arith.constant dense<0.000000e+00> : vector<256x256xf32>
      %dot_general3A_74 = tpu.matmul %slice3A, %get3A_73, %dot_general3A {dimension_numbers = #tpu.dot_dimension_numbers<[1], [0], [0], [1], [0, 0, 1, 1], [], []>, transpose_lhs_hint = false} : vector<256x32xf32>, vector<32x256xf32>, vector<256x256xf32> -> vector<256x256xf32>
      %mul3A_75 = arith.mulf %slice3A, %slice3A : vector<256x32xf32>
      %reduce_sum3A = arith.constant dense<0.000000e+00> : vector<256xf32>
      %reduce_sum3A_76 = vector.multi_reduction <add>, %mul3A_75, %reduce_sum3A [1] : vector<256x32xf32> to vector<256xf32>
      %broadcast_in_dim3A = vector.shape_cast %reduce_sum3A_76 : vector<256xf32> to vector<256x1xf32>
      %mul3A_77 = arith.mulf %get3A_73, %get3A_73 : vector<32x256xf32>
      %reduce_sum3A_78 = arith.constant dense<0.000000e+00> : vector<256xf32>
      %reduce_sum3A_79 = vector.multi_reduction <add>, %mul3A_77, %reduce_sum3A_78 [0] : vector<32x256xf32> to vector<256xf32>
      %broadcast_in_dim3A_80 = vector.shape_cast %reduce_sum3A_79 : vector<256xf32> to vector<1x256xf32>
      %mul3A_81 = arith.constant 2.000000e+00 : f32
      %mul3A_82 = vector.broadcast %mul3A_81 : f32 to vector<256x256xf32>
      %mul3A_83 = arith.mulf %mul3A_82, %dot_general3A_74 : vector<256x256xf32>
      %sub3A = vector.broadcast %broadcast_in_dim3A : vector<256x1xf32> to vector<256x256xf32>
      %sub3A_84 = arith.subf %mul3A_83, %sub3A : vector<256x256xf32>
      %sub3A_85 = vector.broadcast %broadcast_in_dim3A_80 : vector<1x256xf32> to vector<256x256xf32>
      %sub3A_86 = arith.subf %sub3A_84, %sub3A_85 : vector<256x256xf32>
      %get3A_87 = arith.constant 0 : index
      %get3A_88 = arith.constant 0 : index
      %get3A_89 = arith.constant 0 : index
      %get3A_90 = vector.load %arg7[%get3A_87, %get3A_88, %get3A_89] : memref<8x256x256xf32, #tpu.memory_space<vmem>>, vector<1x256x256xf32>
      %get3A_91 = vector.shape_cast %get3A_90 : vector<1x256x256xf32> to vector<256x256xf32>
      %broadcast_in_dim3A_92 = vector.shape_cast %and3A : vector<256x1xi1> to vector<256x1xi1>
      %broadcast_in_dim3A_93 = vector.broadcast %broadcast_in_dim3A_92 : vector<256x1xi1> to vector<256x256xi1>
      %select_n3A = arith.select %broadcast_in_dim3A_93, %sub3A_86, %get3A_91 : vector<256x256xi1>, vector<256x256xf32>
      %swap3A = arith.constant 0 : index
      %swap3A_94 = arith.constant 0 : index
      %swap3A_95 = arith.constant 0 : index
      %swap3A_96 = vector.load %arg7[%swap3A, %swap3A_94, %swap3A_95] : memref<8x256x256xf32, #tpu.memory_space<vmem>>, vector<1x256x256xf32>
      %swap3A_97 = vector.shape_cast %swap3A_96 : vector<1x256x256xf32> to vector<256x256xf32>
      %swap3A_98 = vector.shape_cast %select_n3A : vector<256x256xf32> to vector<1x256x256xf32>
      tpu.vector_store %arg7[%swap3A, %swap3A_94, %swap3A_95], %swap3A_98 {strides = array<i32>} : memref<8x256x256xf32, #tpu.memory_space<vmem>>, vector<1x256x256xf32>,
      %slice3A_99 = vector.extract_strided_slice %get3A_2 {offsets = [0, 32], sizes = [256, 32], strides = [1, 1]} : vector<256x256xf32> to vector<256x32xf32>
      %get3A_100 = arith.index_cast %rem3A_35 : i32 to index
      %get3A_101 = arith.constant 1 : index
      %get3A_102 = arith.constant 0 : index
      %get3A_103 = arith.constant 0 : index
      %get3A_104 = vector.load %arg8[%get3A_100, %get3A_101, %get3A_102, %get3A_103] : memref<2x8x32x256xf32, #tpu.memory_space<vmem>>, vector<1x1x32x256xf32>
      %get3A_105 = vector.shape_cast %get3A_104 : vector<1x1x32x256xf32> to vector<32x256xf32>
      %dot_general3A_106 = arith.constant dense<0.000000e+00> : vector<256x256xf32>
      %dot_general3A_107 = tpu.matmul %slice3A_99, %get3A_105, %dot_general3A_106 {dimension_numbers = #tpu.dot_dimension_numbers<[1], [0], [0], [1], [0, 0, 1, 1], [], []>, transpose_lhs_hint = false} : vector<256x32xf32>, vector<32x256xf32>, vector<256x256xf32> -> vector<256x256xf32>
      %mul3A_108 = arith.mulf %slice3A_99, %slice3A_99 : vector<256x32xf32>
      %reduce_sum3A_109 = arith.constant dense<0.000000e+00> : vector<256xf32>
      %reduce_sum3A_110 = vector.multi_reduction <add>, %mul3A_108, %reduce_sum3A_109 [1] : vector<256x32xf32> to vector<256xf32>
      %broadcast_in_dim3A_111 = vector.shape_cast %reduce_sum3A_110 : vector<256xf32> to vector<256x1xf32>
      %mul3A_112 = arith.mulf %get3A_105, %get3A_105 : vector<32x256xf32>
      %reduce_sum3A_113 = arith.constant dense<0.000000e+00> : vector<256xf32>
      %reduce_sum3A_114 = vector.multi_reduction <add>, %mul3A_112, %reduce_sum3A_113 [0] : vector<32x256xf32> to vector<256xf32>
      %broadcast_in_dim3A_115 = vector.shape_cast %reduce_sum3A_114 : vector<256xf32> to vector<1x256xf32>
      %mul3A_116 = arith.constant 2.000000e+00 : f32
      %mul3A_117 = vector.broadcast %mul3A_116 : f32 to vector<256x256xf32>
      %mul3A_118 = arith.mulf %mul3A_117, %dot_general3A_107 : vector<256x256xf32>
      %sub3A_119 = vector.broadcast %broadcast_in_dim3A_111 : vector<256x1xf32> to vector<256x256xf32>
      %sub3A_120 = arith.subf %mul3A_118, %sub3A_119 : vector<256x256xf32>
      %sub3A_121 = vector.broadcast %broadcast_in_dim3A_115 : vector<1x256xf32> to vector<256x256xf32>
      %sub3A_122 = arith.subf %sub3A_120, %sub3A_121 : vector<256x256xf32>
      %get3A_123 = arith.constant 1 : index
      %get3A_124 = arith.constant 0 : index
      %get3A_125 = arith.constant 0 : index
      %get3A_126 = vector.load %arg7[%get3A_123, %get3A_124, %get3A_125] : memref<8x256x256xf32, #tpu.memory_space<vmem>>, vector<1x256x256xf32>
      %get3A_127 = vector.shape_cast %get3A_126 : vector<1x256x256xf32> to vector<256x256xf32>
      %broadcast_in_dim3A_128 = vector.shape_cast %and3A : vector<256x1xi1> to vector<256x1xi1>
      %broadcast_in_dim3A_129 = vector.broadcast %broadcast_in_dim3A_128 : vector<256x1xi1> to vector<256x256xi1>
      %select_n3A_130 = arith.select %broadcast_in_dim3A_129, %sub3A_122, %get3A_127 : vector<256x256xi1>, vector<256x256xf32>
      %swap3A_131 = arith.constant 1 : index
      %swap3A_132 = arith.constant 0 : index
      %swap3A_133 = arith.constant 0 : index
      %swap3A_134 = vector.load %arg7[%swap3A_131, %swap3A_132, %swap3A_133] : memref<8x256x256xf32, #tpu.memory_space<vmem>>, vector<1x256x256xf32>
      %swap3A_135 = vector.shape_cast %swap3A_134 : vector<1x256x256xf32> to vector<256x256xf32>
      %swap3A_136 = vector.shape_cast %select_n3A_130 : vector<256x256xf32> to vector<1x256x256xf32>
      tpu.vector_store %arg7[%swap3A_131, %swap3A_132, %swap3A_133], %swap3A_136 {strides = array<i32>} : memref<8x256x256xf32, #tpu.memory_space<vmem>>, vector<1x256x256xf32>,
      %slice3A_137 = vector.extract_strided_slice %get3A_2 {offsets = [0, 64], sizes = [256, 32], strides = [1, 1]} : vector<256x256xf32> to vector<256x32xf32>
      %get3A_138 = arith.index_cast %rem3A_35 : i32 to index
      %get3A_139 = arith.constant 2 : index
      %get3A_140 = arith.constant 0 : index
      %get3A_141 = arith.constant 0 : index
      %get3A_142 = vector.load %arg8[%get3A_138, %get3A_139, %get3A_140, %get3A_141] : memref<2x8x32x256xf32, #tpu.memory_space<vmem>>, vector<1x1x32x256xf32>
      %get3A_143 = vector.shape_cast %get3A_142 : vector<1x1x32x256xf32> to vector<32x256xf32>
      %dot_general3A_144 = arith.constant dense<0.000000e+00> : vector<256x256xf32>
      %dot_general3A_145 = tpu.matmul %slice3A_137, %get3A_143, %dot_general3A_144 {dimension_numbers = #tpu.dot_dimension_numbers<[1], [0], [0], [1], [0, 0, 1, 1], [], []>, transpose_lhs_hint = false} : vector<256x32xf32>, vector<32x256xf32>, vector<256x256xf32> -> vector<256x256xf32>
      %mul3A_146 = arith.mulf %slice3A_137, %slice3A_137 : vector<256x32xf32>
      %reduce_sum3A_147 = arith.constant dense<0.000000e+00> : vector<256xf32>
      %reduce_sum3A_148 = vector.multi_reduction <add>, %mul3A_146, %reduce_sum3A_147 [1] : vector<256x32xf32> to vector<256xf32>
      %broadcast_in_dim3A_149 = vector.shape_cast %reduce_sum3A_148 : vector<256xf32> to vector<256x1xf32>
      %mul3A_150 = arith.mulf %get3A_143, %get3A_143 : vector<32x256xf32>
      %reduce_sum3A_151 = arith.constant dense<0.000000e+00> : vector<256xf32>
      %reduce_sum3A_152 = vector.multi_reduction <add>, %mul3A_150, %reduce_sum3A_151 [0] : vector<32x256xf32> to vector<256xf32>
      %broadcast_in_dim3A_153 = vector.shape_cast %reduce_sum3A_152 : vector<256xf32> to vector<1x256xf32>
      %mul3A_154 = arith.constant 2.000000e+00 : f32
      %mul3A_155 = vector.broadcast %mul3A_154 : f32 to vector<256x256xf32>
      %mul3A_156 = arith.mulf %mul3A_155, %dot_general3A_145 : vector<256x256xf32>
      %sub3A_157 = vector.broadcast %broadcast_in_dim3A_149 : vector<256x1xf32> to vector<256x256xf32>
      %sub3A_158 = arith.subf %mul3A_156, %sub3A_157 : vector<256x256xf32>
      %sub3A_159 = vector.broadcast %broadcast_in_dim3A_153 : vector<1x256xf32> to vector<256x256xf32>
      %sub3A_160 = arith.subf %sub3A_158, %sub3A_159 : vector<256x256xf32>
      %get3A_161 = arith.constant 2 : index
      %get3A_162 = arith.constant 0 : index
      %get3A_163 = arith.constant 0 : index
      %get3A_164 = vector.load %arg7[%get3A_161, %get3A_162, %get3A_163] : memref<8x256x256xf32, #tpu.memory_space<vmem>>, vector<1x256x256xf32>
      %get3A_165 = vector.shape_cast %get3A_164 : vector<1x256x256xf32> to vector<256x256xf32>
      %broadcast_in_dim3A_166 = vector.shape_cast %and3A : vector<256x1xi1> to vector<256x1xi1>
      %broadcast_in_dim3A_167 = vector.broadcast %broadcast_in_dim3A_166 : vector<256x1xi1> to vector<256x256xi1>
      %select_n3A_168 = arith.select %broadcast_in_dim3A_167, %sub3A_160, %get3A_165 : vector<256x256xi1>, vector<256x256xf32>
      %swap3A_169 = arith.constant 2 : index
      %swap3A_170 = arith.constant 0 : index
      %swap3A_171 = arith.constant 0 : index
      %swap3A_172 = vector.load %arg7[%swap3A_169, %swap3A_170, %swap3A_171] : memref<8x256x256xf32, #tpu.memory_space<vmem>>, vector<1x256x256xf32>
      %swap3A_173 = vector.shape_cast %swap3A_172 : vector<1x256x256xf32> to vector<256x256xf32>
      %swap3A_174 = vector.shape_cast %select_n3A_168 : vector<256x256xf32> to vector<1x256x256xf32>
      tpu.vector_store %arg7[%swap3A_169, %swap3A_170, %swap3A_171], %swap3A_174 {strides = array<i32>} : memref<8x256x256xf32, #tpu.memory_space<vmem>>, vector<1x256x256xf32>,
      %slice3A_175 = vector.extract_strided_slice %get3A_2 {offsets = [0, 96], sizes = [256, 32], strides = [1, 1]} : vector<256x256xf32> to vector<256x32xf32>
      %get3A_176 = arith.index_cast %rem3A_35 : i32 to index
      %get3A_177 = arith.constant 3 : index
      %get3A_178 = arith.constant 0 : index
      %get3A_179 = arith.constant 0 : index
      %get3A_180 = vector.load %arg8[%get3A_176, %get3A_177, %get3A_178, %get3A_179] : memref<2x8x32x256xf32, #tpu.memory_space<vmem>>, vector<1x1x32x256xf32>
      %get3A_181 = vector.shape_cast %get3A_180 : vector<1x1x32x256xf32> to vector<32x256xf32>
      %dot_general3A_182 = arith.constant dense<0.000000e+00> : vector<256x256xf32>
      %dot_general3A_183 = tpu.matmul %slice3A_175, %get3A_181, %dot_general3A_182 {dimension_numbers = #tpu.dot_dimension_numbers<[1], [0], [0], [1], [0, 0, 1, 1], [], []>, transpose_lhs_hint = false} : vector<256x32xf32>, vector<32x256xf32>, vector<256x256xf32> -> vector<256x256xf32>
      %mul3A_184 = arith.mulf %slice3A_175, %slice3A_175 : vector<256x32xf32>
      %reduce_sum3A_185 = arith.constant dense<0.000000e+00> : vector<256xf32>
      %reduce_sum3A_186 = vector.multi_reduction <add>, %mul3A_184, %reduce_sum3A_185 [1] : vector<256x32xf32> to vector<256xf32>
      %broadcast_in_dim3A_187 = vector.shape_cast %reduce_sum3A_186 : vector<256xf32> to vector<256x1xf32>
      %mul3A_188 = arith.mulf %get3A_181, %get3A_181 : vector<32x256xf32>
      %reduce_sum3A_189 = arith.constant dense<0.000000e+00> : vector<256xf32>
      %reduce_sum3A_190 = vector.multi_reduction <add>, %mul3A_188, %reduce_sum3A_189 [0] : vector<32x256xf32> to vector<256xf32>
      %broadcast_in_dim3A_191 = vector.shape_cast %reduce_sum3A_190 : vector<256xf32> to vector<1x256xf32>
      %mul3A_192 = arith.constant 2.000000e+00 : f32
      %mul3A_193 = vector.broadcast %mul3A_192 : f32 to vector<256x256xf32>
      %mul3A_194 = arith.mulf %mul3A_193, %dot_general3A_183 : vector<256x256xf32>
      %sub3A_195 = vector.broadcast %broadcast_in_dim3A_187 : vector<256x1xf32> to vector<256x256xf32>
      %sub3A_196 = arith.subf %mul3A_194, %sub3A_195 : vector<256x256xf32>
      %sub3A_197 = vector.broadcast %broadcast_in_dim3A_191 : vector<1x256xf32> to vector<256x256xf32>
      %sub3A_198 = arith.subf %sub3A_196, %sub3A_197 : vector<256x256xf32>
      %get3A_199 = arith.constant 3 : index
      %get3A_200 = arith.constant 0 : index
      %get3A_201 = arith.constant 0 : index
      %get3A_202 = vector.load %arg7[%get3A_199, %get3A_200, %get3A_201] : memref<8x256x256xf32, #tpu.memory_space<vmem>>, vector<1x256x256xf32>
      %get3A_203 = vector.shape_cast %get3A_202 : vector<1x256x256xf32> to vector<256x256xf32>
      %broadcast_in_dim3A_204 = vector.shape_cast %and3A : vector<256x1xi1> to vector<256x1xi1>
      %broadcast_in_dim3A_205 = vector.broadcast %broadcast_in_dim3A_204 : vector<256x1xi1> to vector<256x256xi1>
      %select_n3A_206 = arith.select %broadcast_in_dim3A_205, %sub3A_198, %get3A_203 : vector<256x256xi1>, vector<256x256xf32>
      %swap3A_207 = arith.constant 3 : index
      %swap3A_208 = arith.constant 0 : index
      %swap3A_209 = arith.constant 0 : index
      %swap3A_210 = vector.load %arg7[%swap3A_207, %swap3A_208, %swap3A_209] : memref<8x256x256xf32, #tpu.memory_space<vmem>>, vector<1x256x256xf32>
      %swap3A_211 = vector.shape_cast %swap3A_210 : vector<1x256x256xf32> to vector<256x256xf32>
      %swap3A_212 = vector.shape_cast %select_n3A_206 : vector<256x256xf32> to vector<1x256x256xf32>
      tpu.vector_store %arg7[%swap3A_207, %swap3A_208, %swap3A_209], %swap3A_212 {strides = array<i32>} : memref<8x256x256xf32, #tpu.memory_space<vmem>>, vector<1x256x256xf32>,
      %slice3A_213 = vector.extract_strided_slice %get3A_2 {offsets = [0, 128], sizes = [256, 32], strides = [1, 1]} : vector<256x256xf32> to vector<256x32xf32>
      %get3A_214 = arith.index_cast %rem3A_35 : i32 to index
      %get3A_215 = arith.constant 4 : index
      %get3A_216 = arith.constant 0 : index
      %get3A_217 = arith.constant 0 : index
      %get3A_218 = vector.load %arg8[%get3A_214, %get3A_215, %get3A_216, %get3A_217] : memref<2x8x32x256xf32, #tpu.memory_space<vmem>>, vector<1x1x32x256xf32>
      %get3A_219 = vector.shape_cast %get3A_218 : vector<1x1x32x256xf32> to vector<32x256xf32>
      %dot_general3A_220 = arith.constant dense<0.000000e+00> : vector<256x256xf32>
      %dot_general3A_221 = tpu.matmul %slice3A_213, %get3A_219, %dot_general3A_220 {dimension_numbers = #tpu.dot_dimension_numbers<[1], [0], [0], [1], [0, 0, 1, 1], [], []>, transpose_lhs_hint = false} : vector<256x32xf32>, vector<32x256xf32>, vector<256x256xf32> -> vector<256x256xf32>
      %mul3A_222 = arith.mulf %slice3A_213, %slice3A_213 : vector<256x32xf32>
      %reduce_sum3A_223 = arith.constant dense<0.000000e+00> : vector<256xf32>
      %reduce_sum3A_224 = vector.multi_reduction <add>, %mul3A_222, %reduce_sum3A_223 [1] : vector<256x32xf32> to vector<256xf32>
      %broadcast_in_dim3A_225 = vector.shape_cast %reduce_sum3A_224 : vector<256xf32> to vector<256x1xf32>
      %mul3A_226 = arith.mulf %get3A_219, %get3A_219 : vector<32x256xf32>
      %reduce_sum3A_227 = arith.constant dense<0.000000e+00> : vector<256xf32>
      %reduce_sum3A_228 = vector.multi_reduction <add>, %mul3A_226, %reduce_sum3A_227 [0] : vector<32x256xf32> to vector<256xf32>
      %broadcast_in_dim3A_229 = vector.shape_cast %reduce_sum3A_228 : vector<256xf32> to vector<1x256xf32>
      %mul3A_230 = arith.constant 2.000000e+00 : f32
      %mul3A_231 = vector.broadcast %mul3A_230 : f32 to vector<256x256xf32>
      %mul3A_232 = arith.mulf %mul3A_231, %dot_general3A_221 : vector<256x256xf32>
      %sub3A_233 = vector.broadcast %broadcast_in_dim3A_225 : vector<256x1xf32> to vector<256x256xf32>
      %sub3A_234 = arith.subf %mul3A_232, %sub3A_233 : vector<256x256xf32>
      %sub3A_235 = vector.broadcast %broadcast_in_dim3A_229 : vector<1x256xf32> to vector<256x256xf32>
      %sub3A_236 = arith.subf %sub3A_234, %sub3A_235 : vector<256x256xf32>
      %get3A_237 = arith.constant 4 : index
      %get3A_238 = arith.constant 0 : index
      %get3A_239 = arith.constant 0 : index
      %get3A_240 = vector.load %arg7[%get3A_237, %get3A_238, %get3A_239] : memref<8x256x256xf32, #tpu.memory_space<vmem>>, vector<1x256x256xf32>
      %get3A_241 = vector.shape_cast %get3A_240 : vector<1x256x256xf32> to vector<256x256xf32>
      %broadcast_in_dim3A_242 = vector.shape_cast %and3A : vector<256x1xi1> to vector<256x1xi1>
      %broadcast_in_dim3A_243 = vector.broadcast %broadcast_in_dim3A_242 : vector<256x1xi1> to vector<256x256xi1>
      %select_n3A_244 = arith.select %broadcast_in_dim3A_243, %sub3A_236, %get3A_241 : vector<256x256xi1>, vector<256x256xf32>
      %swap3A_245 = arith.constant 4 : index
      %swap3A_246 = arith.constant 0 : index
      %swap3A_247 = arith.constant 0 : index
      %swap3A_248 = vector.load %arg7[%swap3A_245, %swap3A_246, %swap3A_247] : memref<8x256x256xf32, #tpu.memory_space<vmem>>, vector<1x256x256xf32>
      %swap3A_249 = vector.shape_cast %swap3A_248 : vector<1x256x256xf32> to vector<256x256xf32>
      %swap3A_250 = vector.shape_cast %select_n3A_244 : vector<256x256xf32> to vector<1x256x256xf32>
      tpu.vector_store %arg7[%swap3A_245, %swap3A_246, %swap3A_247], %swap3A_250 {strides = array<i32>} : memref<8x256x256xf32, #tpu.memory_space<vmem>>, vector<1x256x256xf32>,
      %slice3A_251 = vector.extract_strided_slice %get3A_2 {offsets = [0, 160], sizes = [256, 32], strides = [1, 1]} : vector<256x256xf32> to vector<256x32xf32>
      %get3A_252 = arith.index_cast %rem3A_35 : i32 to index
      %get3A_253 = arith.constant 5 : index
      %get3A_254 = arith.constant 0 : index
      %get3A_255 = arith.constant 0 : index
      %get3A_256 = vector.load %arg8[%get3A_252, %get3A_253, %get3A_254, %get3A_255] : memref<2x8x32x256xf32, #tpu.memory_space<vmem>>, vector<1x1x32x256xf32>
      %get3A_257 = vector.shape_cast %get3A_256 : vector<1x1x32x256xf32> to vector<32x256xf32>
      %dot_general3A_258 = arith.constant dense<0.000000e+00> : vector<256x256xf32>
      %dot_general3A_259 = tpu.matmul %slice3A_251, %get3A_257, %dot_general3A_258 {dimension_numbers = #tpu.dot_dimension_numbers<[1], [0], [0], [1], [0, 0, 1, 1], [], []>, transpose_lhs_hint = false} : vector<256x32xf32>, vector<32x256xf32>, vector<256x256xf32> -> vector<256x256xf32>
      %mul3A_260 = arith.mulf %slice3A_251, %slice3A_251 : vector<256x32xf32>
      %reduce_sum3A_261 = arith.constant dense<0.000000e+00> : vector<256xf32>
      %reduce_sum3A_262 = vector.multi_reduction <add>, %mul3A_260, %reduce_sum3A_261 [1] : vector<256x32xf32> to vector<256xf32>
      %broadcast_in_dim3A_263 = vector.shape_cast %reduce_sum3A_262 : vector<256xf32> to vector<256x1xf32>
      %mul3A_264 = arith.mulf %get3A_257, %get3A_257 : vector<32x256xf32>
      %reduce_sum3A_265 = arith.constant dense<0.000000e+00> : vector<256xf32>
      %reduce_sum3A_266 = vector.multi_reduction <add>, %mul3A_264, %reduce_sum3A_265 [0] : vector<32x256xf32> to vector<256xf32>
      %broadcast_in_dim3A_267 = vector.shape_cast %reduce_sum3A_266 : vector<256xf32> to vector<1x256xf32>
      %mul3A_268 = arith.constant 2.000000e+00 : f32
      %mul3A_269 = vector.broadcast %mul3A_268 : f32 to vector<256x256xf32>
      %mul3A_270 = arith.mulf %mul3A_269, %dot_general3A_259 : vector<256x256xf32>
      %sub3A_271 = vector.broadcast %broadcast_in_dim3A_263 : vector<256x1xf32> to vector<256x256xf32>
      %sub3A_272 = arith.subf %mul3A_270, %sub3A_271 : vector<256x256xf32>
      %sub3A_273 = vector.broadcast %broadcast_in_dim3A_267 : vector<1x256xf32> to vector<256x256xf32>
      %sub3A_274 = arith.subf %sub3A_272, %sub3A_273 : vector<256x256xf32>
      %get3A_275 = arith.constant 5 : index
      %get3A_276 = arith.constant 0 : index
      %get3A_277 = arith.constant 0 : index
      %get3A_278 = vector.load %arg7[%get3A_275, %get3A_276, %get3A_277] : memref<8x256x256xf32, #tpu.memory_space<vmem>>, vector<1x256x256xf32>
      %get3A_279 = vector.shape_cast %get3A_278 : vector<1x256x256xf32> to vector<256x256xf32>
      %broadcast_in_dim3A_280 = vector.shape_cast %and3A : vector<256x1xi1> to vector<256x1xi1>
      %broadcast_in_dim3A_281 = vector.broadcast %broadcast_in_dim3A_280 : vector<256x1xi1> to vector<256x256xi1>
      %select_n3A_282 = arith.select %broadcast_in_dim3A_281, %sub3A_274, %get3A_279 : vector<256x256xi1>, vector<256x256xf32>
      %swap3A_283 = arith.constant 5 : index
      %swap3A_284 = arith.constant 0 : index
      %swap3A_285 = arith.constant 0 : index
      %swap3A_286 = vector.load %arg7[%swap3A_283, %swap3A_284, %swap3A_285] : memref<8x256x256xf32, #tpu.memory_space<vmem>>, vector<1x256x256xf32>
      %swap3A_287 = vector.shape_cast %swap3A_286 : vector<1x256x256xf32> to vector<256x256xf32>
      %swap3A_288 = vector.shape_cast %select_n3A_282 : vector<256x256xf32> to vector<1x256x256xf32>
      tpu.vector_store %arg7[%swap3A_283, %swap3A_284, %swap3A_285], %swap3A_288 {strides = array<i32>} : memref<8x256x256xf32, #tpu.memory_space<vmem>>, vector<1x256x256xf32>,
      %slice3A_289 = vector.extract_strided_slice %get3A_2 {offsets = [0, 192], sizes = [256, 32], strides = [1, 1]} : vector<256x256xf32> to vector<256x32xf32>
      %get3A_290 = arith.index_cast %rem3A_35 : i32 to index
      %get3A_291 = arith.constant 6 : index
      %get3A_292 = arith.constant 0 : index
      %get3A_293 = arith.constant 0 : index
      %get3A_294 = vector.load %arg8[%get3A_290, %get3A_291, %get3A_292, %get3A_293] : memref<2x8x32x256xf32, #tpu.memory_space<vmem>>, vector<1x1x32x256xf32>
      %get3A_295 = vector.shape_cast %get3A_294 : vector<1x1x32x256xf32> to vector<32x256xf32>
      %dot_general3A_296 = arith.constant dense<0.000000e+00> : vector<256x256xf32>
      %dot_general3A_297 = tpu.matmul %slice3A_289, %get3A_295, %dot_general3A_296 {dimension_numbers = #tpu.dot_dimension_numbers<[1], [0], [0], [1], [0, 0, 1, 1], [], []>, transpose_lhs_hint = false} : vector<256x32xf32>, vector<32x256xf32>, vector<256x256xf32> -> vector<256x256xf32>
      %mul3A_298 = arith.mulf %slice3A_289, %slice3A_289 : vector<256x32xf32>
      %reduce_sum3A_299 = arith.constant dense<0.000000e+00> : vector<256xf32>
      %reduce_sum3A_300 = vector.multi_reduction <add>, %mul3A_298, %reduce_sum3A_299 [1] : vector<256x32xf32> to vector<256xf32>
      %broadcast_in_dim3A_301 = vector.shape_cast %reduce_sum3A_300 : vector<256xf32> to vector<256x1xf32>
      %mul3A_302 = arith.mulf %get3A_295, %get3A_295 : vector<32x256xf32>
      %reduce_sum3A_303 = arith.constant dense<0.000000e+00> : vector<256xf32>
      %reduce_sum3A_304 = vector.multi_reduction <add>, %mul3A_302, %reduce_sum3A_303 [0] : vector<32x256xf32> to vector<256xf32>
      %broadcast_in_dim3A_305 = vector.shape_cast %reduce_sum3A_304 : vector<256xf32> to vector<1x256xf32>
      %mul3A_306 = arith.constant 2.000000e+00 : f32
      %mul3A_307 = vector.broadcast %mul3A_306 : f32 to vector<256x256xf32>
      %mul3A_308 = arith.mulf %mul3A_307, %dot_general3A_297 : vector<256x256xf32>
      %sub3A_309 = vector.broadcast %broadcast_in_dim3A_301 : vector<256x1xf32> to vector<256x256xf32>
      %sub3A_310 = arith.subf %mul3A_308, %sub3A_309 : vector<256x256xf32>
      %sub3A_311 = vector.broadcast %broadcast_in_dim3A_305 : vector<1x256xf32> to vector<256x256xf32>
      %sub3A_312 = arith.subf %sub3A_310, %sub3A_311 : vector<256x256xf32>
      %get3A_313 = arith.constant 6 : index
      %get3A_314 = arith.constant 0 : index
      %get3A_315 = arith.constant 0 : index
      %get3A_316 = vector.load %arg7[%get3A_313, %get3A_314, %get3A_315] : memref<8x256x256xf32, #tpu.memory_space<vmem>>, vector<1x256x256xf32>
      %get3A_317 = vector.shape_cast %get3A_316 : vector<1x256x256xf32> to vector<256x256xf32>
      %broadcast_in_dim3A_318 = vector.shape_cast %and3A : vector<256x1xi1> to vector<256x1xi1>
      %broadcast_in_dim3A_319 = vector.broadcast %broadcast_in_dim3A_318 : vector<256x1xi1> to vector<256x256xi1>
      %select_n3A_320 = arith.select %broadcast_in_dim3A_319, %sub3A_312, %get3A_317 : vector<256x256xi1>, vector<256x256xf32>
      %swap3A_321 = arith.constant 6 : index
      %swap3A_322 = arith.constant 0 : index
      %swap3A_323 = arith.constant 0 : index
      %swap3A_324 = vector.load %arg7[%swap3A_321, %swap3A_322, %swap3A_323] : memref<8x256x256xf32, #tpu.memory_space<vmem>>, vector<1x256x256xf32>
      %swap3A_325 = vector.shape_cast %swap3A_324 : vector<1x256x256xf32> to vector<256x256xf32>
      %swap3A_326 = vector.shape_cast %select_n3A_320 : vector<256x256xf32> to vector<1x256x256xf32>
      tpu.vector_store %arg7[%swap3A_321, %swap3A_322, %swap3A_323], %swap3A_326 {strides = array<i32>} : memref<8x256x256xf32, #tpu.memory_space<vmem>>, vector<1x256x256xf32>,
      %slice3A_327 = vector.extract_strided_slice %get3A_2 {offsets = [0, 224], sizes = [256, 32], strides = [1, 1]} : vector<256x256xf32> to vector<256x32xf32>
      %get3A_328 = arith.index_cast %rem3A_35 : i32 to index
      %get3A_329 = arith.constant 7 : index
      %get3A_330 = arith.constant 0 : index
      %get3A_331 = arith.constant 0 : index
      %get3A_332 = vector.load %arg8[%get3A_328, %get3A_329, %get3A_330, %get3A_331] : memref<2x8x32x256xf32, #tpu.memory_space<vmem>>, vector<1x1x32x256xf32>
      %get3A_333 = vector.shape_cast %get3A_332 : vector<1x1x32x256xf32> to vector<32x256xf32>
      %dot_general3A_334 = arith.constant dense<0.000000e+00> : vector<256x256xf32>
      %dot_general3A_335 = tpu.matmul %slice3A_327, %get3A_333, %dot_general3A_334 {dimension_numbers = #tpu.dot_dimension_numbers<[1], [0], [0], [1], [0, 0, 1, 1], [], []>, transpose_lhs_hint = false} : vector<256x32xf32>, vector<32x256xf32>, vector<256x256xf32> -> vector<256x256xf32>
      %mul3A_336 = arith.mulf %slice3A_327, %slice3A_327 : vector<256x32xf32>
      %reduce_sum3A_337 = arith.constant dense<0.000000e+00> : vector<256xf32>
      %reduce_sum3A_338 = vector.multi_reduction <add>, %mul3A_336, %reduce_sum3A_337 [1] : vector<256x32xf32> to vector<256xf32>
      %broadcast_in_dim3A_339 = vector.shape_cast %reduce_sum3A_338 : vector<256xf32> to vector<256x1xf32>
      %mul3A_340 = arith.mulf %get3A_333, %get3A_333 : vector<32x256xf32>
      %reduce_sum3A_341 = arith.constant dense<0.000000e+00> : vector<256xf32>
      %reduce_sum3A_342 = vector.multi_reduction <add>, %mul3A_340, %reduce_sum3A_341 [0] : vector<32x256xf32> to vector<256xf32>
      %broadcast_in_dim3A_343 = vector.shape_cast %reduce_sum3A_342 : vector<256xf32> to vector<1x256xf32>
      %mul3A_344 = arith.constant 2.000000e+00 : f32
      %mul3A_345 = vector.broadcast %mul3A_344 : f32 to vector<256x256xf32>
      %mul3A_346 = arith.mulf %mul3A_345, %dot_general3A_335 : vector<256x256xf32>
      %sub3A_347 = vector.broadcast %broadcast_in_dim3A_339 : vector<256x1xf32> to vector<256x256xf32>
      %sub3A_348 = arith.subf %mul3A_346, %sub3A_347 : vector<256x256xf32>
      %sub3A_349 = vector.broadcast %broadcast_in_dim3A_343 : vector<1x256xf32> to vector<256x256xf32>
      %sub3A_350 = arith.subf %sub3A_348, %sub3A_349 : vector<256x256xf32>
      %get3A_351 = arith.constant 7 : index
      %get3A_352 = arith.constant 0 : index
      %get3A_353 = arith.constant 0 : index
      %get3A_354 = vector.load %arg7[%get3A_351, %get3A_352, %get3A_353] : memref<8x256x256xf32, #tpu.memory_space<vmem>>, vector<1x256x256xf32>
      %get3A_355 = vector.shape_cast %get3A_354 : vector<1x256x256xf32> to vector<256x256xf32>
      %broadcast_in_dim3A_356 = vector.shape_cast %and3A : vector<256x1xi1> to vector<256x1xi1>
      %broadcast_in_dim3A_357 = vector.broadcast %broadcast_in_dim3A_356 : vector<256x1xi1> to vector<256x256xi1>
      %select_n3A_358 = arith.select %broadcast_in_dim3A_357, %sub3A_350, %get3A_355 : vector<256x256xi1>, vector<256x256xf32>
      %swap3A_359 = arith.constant 7 : index
      %swap3A_360 = arith.constant 0 : index
      %swap3A_361 = arith.constant 0 : index
      %swap3A_362 = vector.load %arg7[%swap3A_359, %swap3A_360, %swap3A_361] : memref<8x256x256xf32, #tpu.memory_space<vmem>>, vector<1x256x256xf32>
      %swap3A_363 = vector.shape_cast %swap3A_362 : vector<1x256x256xf32> to vector<256x256xf32>
      %swap3A_364 = vector.shape_cast %select_n3A_358 : vector<256x256xf32> to vector<1x256x256xf32>
      tpu.vector_store %arg7[%swap3A_359, %swap3A_360, %swap3A_361], %swap3A_364 {strides = array<i32>} : memref<8x256x256xf32, #tpu.memory_space<vmem>>, vector<1x256x256xf32>,
    }
    return
  }
  func.func @transform_0(%arg0: i32) -> (i32, i32) {
    %c0_i32 = arith.constant 0 : i32
    %c0_i32_0 = arith.constant 0 : i32
    %c0_i32_1 = arith.constant 0 : i32
    return %c0_i32, %c0_i32_0 : i32, i32
  }
  func.func @transform_1(%arg0: i32) -> (i32, i32) {
    %c0_i32 = arith.constant 0 : i32
    %c0_i32_0 = arith.constant 0 : i32
    %c0_i32_1 = arith.constant 0 : i32
    return %c0_i32, %c0_i32_0 : i32, i32
  }
  func.func @transform_2(%arg0: i32) -> (i32, i32, i32) {
    %c0_i32 = arith.constant 0 : i32
    %c0_i32_0 = arith.constant 0 : i32
    %c0_i32_1 = arith.constant 0 : i32
    return %arg0, %c0_i32, %c0_i32_0 : i32, i32, i32
  }
  func.func @transform_3(%arg0: i32) -> (i32, i32, i32) {
    %c0_i32 = arith.constant 0 : i32
    %c0_i32_0 = arith.constant 0 : i32
    %c0_i32_1 = arith.constant 0 : i32
    return %arg0, %c0_i32, %c0_i32_0 : i32, i32, i32
  }
  func.func @transform_4(%arg0: i32) -> (i32, i32) {
    %c0_i32 = arith.constant 0 : i32
    %c0_i32_0 = arith.constant 0 : i32
    return %arg0, %c0_i32 : i32, i32
  }
  func.func @transform_6(%arg0: i32) -> (i32, i32, i32) {
    %c0_i32 = arith.constant 0 : i32
    %c0_i32_0 = arith.constant 0 : i32
    %c0_i32_1 = arith.constant 0 : i32
    return %c0_i32, %arg0, %c0_i32_0 : i32, i32, i32
  }
}

</mosaic_0001>

<sc_bundles>
// kernel: kernel.6.cloned.1.call-start
scs
__scs_entry_jumppad:
0x0: {  	(pc) =	sbr.rel $0x88, $3  }
0x1: {  	(tag) =	ssettag $0x0;
	lr =	simm.s32 $0x1  }
0x2: {  	[smem:$0x3F9E] =	sst lr;
	_ =	strace $0xD0000000  }
0x3: {  	_ = 	snop  }
0x4: {  	_ = 	snop  }
0x5: {  	_ = 	snop  }
0x6: {  	_ = 	snop  }
0x7: {  	_ = 	snop  }
__scs_overlays_trampoline_lowered:
0x8: {  	[smem:$0x3FAD] =	sst s0  }
0x9: {  	[smem:$0x3FAE] =	sst s1  }
0xa: {  	[smem:$0x3FAF] =	sst s2  }
0xb: {  	[smem:$0x3FB0] =	sst s3  }
0xc: {  	[smem:$0x3FB1] =	sst s4  }
0xd: {  	[smem:$0x3FB2] =	sst s5  }
0xe: {  	[smem:$0x3FB3] =	sst s6  }
0xf: {  	[smem:$0x3FB4] =	sst s7  }
0x10: {  	[smem:$0x3FB5] =	sst s8  }
0x11: {  	[smem:$0x3FB6] =	sst s9;
	s0 =	simm.s32 @!p0 $0x0  }
0x12: {  	s1 =	sld [smem:$0x3F9C];
	s0 =	simm.s32 @p0 $0x1  }
0x13: {  	[smem:$0x3FB7] =	sst s0;
	s0 =	simm.s32 @!p1 $0x0  }
0x14: {  	s2 =	sld [smem:$0x3F9B];
	s0 =	simm.s32 @p1 $0x1  }
0x15: {  	[smem:$0x3FB8] =	sst s0;
	s0 =	simm.s32 @!p2 $0x0  }
0x16: {  	s3 =	sld [smem:$0x3FDB];
	s0 =	simm.s32 @p2 $0x1  }
0x17: {  	s4 =	simm.s32 $0x1BF5;
	[smem:$0x3FBA] =	sst s0  }
0x18: {  	s0 =	sld [smem:$0x3F9D];
	_ =	swait.ge [sflag:s4], $0x0  }
0x19: {  	s7 =	sld [smem:$0x3F9E]  }
0x1a: {  	s8 =	sadd.s32 $0xFFFFE003, lr  }
0x1b: {  	s9 =	sadd.s32 $0xFFFFFEF7, lr;
	s5 =	simm.s32 $0xFFFFFFFF;
	p2 =	slt.u32 s8, $0xFFFFF086  }
0x1c: {  	p1 =	slt.u32 s9, $0xF7A;
	s5 =	simm.s32 @!p2 $0x0  }
0x1d: {  	s5 =	simm.s32 @p1 $0x1;
	p0 =	seq.s32 s7, s2  }
0x1e: {  	s7 =	smul.u32 @!p0 $0xF7A, s2;
	p2 =	seq.s32 @!p0 s5, $0x0  }
0x1f: {  	s9 =	smul.u32 $0xF7A, s1;
	s8 =	simm.s32 @!p0 $0x1BF5;
	p2 =	por !p2, p0  }
0x20: {  	[sflag:s8] =	ssyncset.s32 @!p0 $0xFFFFF086;
	s6 =	sadd.s32 @!p0 s3, s7;
	s7 =	simm.s32 @!p0 $0x108  }
0x21: {  	s3 =	sadd.s32 s3, s9;
	s6 =	sadd.s32 @!p0 $0x88, s6;
	s7 =	simm.s32 @p2 $0x1082  }
0x22: {  	[simem:s7], [sflag:s8] =	dma.local @!p0 [hbm:s6], $0xF7A  }
0x23: {  	s9 =	sor.u32 $0xD0000000, s2;
	s6 =	simm.s32 $0x108;
	_ =	swait.ge @!p0 [sflag:s8], $0x0  }
0x24: {  	s3 =	sadd.s32 $0x88, s3;
	s6 =	simm.s32 @!p1 $0x1082;
	[sflag:s4] =	ssyncset.s32 $0xFFFFF086  }
0x25: {  	[simem:s6], [sflag:s4] =	dma.local [hbm:s3], $0xF7A  }
0x26: {  	[smem:$0x3F9E] =	sst s1;
	(tag) =	ssettag s2;
	_ =	strace s9  }
0x27: {  	s1 =	sld [smem:$0x3FAE]  }
0x28: {  	s2 =	sld [smem:$0x3FAF]  }
0x29: {  	s4 =	sld [smem:$0x3FB1]  }
0x2a: {  	p0 =	seq.s32 s5, $0x0;
	s5 =	sld [smem:$0x3FB2]  }
0x2b: {  	s6 =	sld [smem:$0x3FB3]  }
0x2c: {  	s7 =	sld [smem:$0x3FB4]  }
0x2d: {  	s3 =	simm.s32 $0x108;
	s8 =	sld [smem:$0x3FB5]  }
0x2e: {  	s3 =	simm.s32 @!p0 $0x1082;
	s9 =	sld [smem:$0x3FB6]  }
0x2f: {  	lr =	sadd.s32 s0, s3;
	s0 =	sld [smem:$0x3FAD]  }
0x30: {  	s3 =	sld [smem:$0x3FB0]  }
0x31: {  	[smem:$0x3FB9] =	sst s10  }
0x32: {  	s10 =	sld [smem:$0x3FB7];
	_ =	sdelay $0x3  }
0x33: {  	p0 =	seq.s32 s10, $0x1;
	s10 =	sld [smem:$0x3FB9];
	_ =	sdelay $0x3  }
0x34: {  	[smem:$0x3FB9] =	sst s10  }
0x35: {  	s10 =	sld [smem:$0x3FB8];
	_ =	sdelay $0x3  }
0x36: {  	p1 =	seq.s32 s10, $0x1;
	s10 =	sld [smem:$0x3FB9];
	_ =	sdelay $0x3  }
0x37: {  	[smem:$0x3FB9] =	sst s10  }
0x38: {  	s10 =	sld [smem:$0x3FBA]  }
0x39: {  	_ = 	snop;
	(pc) =	sbr.ind lr, $3  }
0x3a: {  	_ = 	snop  }
0x3b: {  	_ = 	snop  }
0x3c: {  	p2 =	seq.s32 s10, $0x1;
	s10 =	sld [smem:$0x3FB9]  }
0x3d: {  	_ =	shalt  }
0x3e: {  	_ =	shalt  }
0x3f: {  	_ =	shalt  }
0x40: {  	_ =	shalt  }
0x41: {  	_ =	shalt  }
0x42: {  	_ =	shalt  }
0x43: {  	_ =	shalt  }
0x44: {  	_ =	shalt  }
0x45: {  	_ =	shalt  }
0x46: {  	_ =	shalt  }
0x47: {  	_ =	shalt  }
0x48: {  	_ =	shalt  }
0x49: {  	_ =	shalt  }
0x4a: {  	_ =	shalt  }
0x4b: {  	_ =	shalt  }
0x4c: {  	_ =	shalt  }
0x4d: {  	_ =	shalt  }
0x4e: {  	_ =	shalt  }
0x4f: {  	_ =	shalt  }
0x50: {  	_ =	shalt  }
0x51: {  	_ =	shalt  }
0x52: {  	_ =	shalt  }
0x53: {  	_ =	shalt  }
0x54: {  	_ =	shalt  }
0x55: {  	_ =	shalt  }
0x56: {  	_ =	shalt  }
0x57: {  	_ =	shalt  }
0x58: {  	_ =	shalt  }
0x59: {  	_ =	shalt  }
0x5a: {  	_ =	shalt  }
0x5b: {  	_ =	shalt  }
0x5c: {  	_ =	shalt  }
0x5d: {  	_ =	shalt  }
0x5e: {  	_ =	shalt  }
0x5f: {  	_ =	shalt  }
0x60: {  	_ =	shalt  }
0x61: {  	_ =	shalt  }
0x62: {  	_ =	shalt  }
0x63: {  	_ =	shalt  }
0x64: {  	_ =	shalt  }
0x65: {  	_ =	shalt  }
0x66: {  	_ =	shalt  }
0x67: {  	_ =	shalt  }
0x68: {  	_ =	shalt  }
0x69: {  	_ =	shalt  }
0x6a: {  	_ =	shalt  }
0x6b: {  	_ =	shalt  }
0x6c: {  	_ =	shalt  }
0x6d: {  	_ =	shalt  }
0x6e: {  	_ =	shalt  }
0x6f: {  	_ =	shalt  }
0x70: {  	_ =	shalt  }
0x71: {  	_ =	shalt  }
0x72: {  	_ =	shalt  }
0x73: {  	_ =	shalt  }
0x74: {  	_ =	shalt  }
0x75: {  	_ =	shalt  }
0x76: {  	_ =	shalt  }
0x77: {  	_ =	shalt  }
0x78: {  	_ =	shalt  }
0x79: {  	_ =	shalt  }
0x7a: {  	_ =	shalt  }
0x7b: {  	_ =	shalt  }
0x7c: {  	_ =	shalt  }
0x7d: {  	_ =	shalt  }
0x7e: {  	_ =	shalt  }
0x7f: {  	_ =	shalt  }
0x80: {  	_ =	shalt  }
0x81: {  	_ =	shalt  }
0x82: {  	_ =	shalt  }
0x83: {  	_ =	shalt  }
0x84: {  	_ =	shalt  }
0x85: {  	_ =	shalt  }
0x86: {  	_ =	shalt  }
0x87: {  	_ =	shalt  }
.Lfunc_end0:
.L_simem_size_0:
called_computation_lowered:
.L_overlay_start_0:
0x88: {  	s2 =	sld [smem:$0x3FD9]  }
0x89: {  	s3 =	sld [smem:$0x3FFE];
	_ =	sdelay $0x1  }
0x8a: {  	s1 =	srdreg.scid  }
0x8b: {  	s0 =	sand.u32 $0x1, s1  }
0x8c: {  	s14 =	sshll.u32 s0, $0xA;
	s2 =	sadd.s32 s3, s2  }
0x8d: {  	s2 =	sadd.s32 s2, s14  }
0x8e: {  	[smem:$0x3FC5] =	sst s2  }
0x8f: {  	_ = 	snop  }
0x90: {  	s2 =	sld [smem:$0x3FD0];
	_ =	sdelay $0x2  }
0x91: {  	s15 =	simm.s32 $0xA;
	s4 =	simm.s32 $0x10  }
0x92: {  	[smem:s4], [sflag:s15] =	dma.local [hbm:s2], $0x1  }
0x93: {  	_ =	swait.eq [sflag:s15], $0x1  }
0x94: {  	[sflag:s15] =	ssyncset.done $0x0  }
0x95: {  	s16 =	sld [smem:$0x10];
	[sflag:s15] =	ssyncadd.s32 $0xFFFFFFFF  }
0x96: {  	s17 =	sld [smem:$0x11];
	(tm) =	ssettm $0x1  }
0x97: {  	s18 =	sld [smem:$0x3FFB];
	_ =	sdelay $0x3  }
0x98: {  	_ =	strace s18  }
0x99: {  	s4 =	sld [smem:$0x3FFC];
	_ =	sdelay $0x3  }
0x9a: {  	_ =	strace s4  }
0x9b: {  	s4 =	sld [smem:$0x3FFD];
	_ =	sdelay $0x3  }
0x9c: {  	_ =	strace s4  }
0x9d: {  	_ =	strace $0x8FFFFFFF  }
0x9e: {  	s19 =	sld [smem:$0x3FDB];
	_ =	sdelay $0x1  }
0x9f: {  	s5 =	simm.s32 $_scs_section_size  }
0xa0: {  	s6 =	simm.s32 $_size__tile_overlayer_lowered;
	s7 =	simm.s32 $_tile_overlayer_lowered  }
0xa1: {  	s22 =	simm.s32 $0x1BFF;
	s21 =	sshll.u32 s7, $0x1;
	s4 =	sadd.s32 s5, s19  }
0xa2: {  	s8 =	simm.s32 $0x0;
	s20 =	sshll.u32 s6, $0x1;
	s6 =	sadd.s32 s21, s4  }
0xa3: {  	[timem:s8], [sflag:s22] =	dma.local [hbm:s6], s20  }
0xa4: {  	_ =	swait.ge [sflag:s22], s20  }
0xa5: {  	s5 =	ssub.s32 $0x0, s20;
	[sflag:s22] =	ssyncset.done $0x0  }
0xa6: {  	[sflag:s22] =	ssyncadd.s32 s5;
	_ =	sdelay $0x1  }
0xa7: {  	s23 =	simm.s32 $0x1B8B  }
0xa8: {  	_ =	swait.ge [sflag:s23], $0x1  }
0xa9: {  	[sflag:s23] =	ssyncset.done $0x0  }
0xaa: {  	s25 =	simm.s32 $0x1B8E;
	s24 =	sld [smem:$0x3FFE];
	[sflag:s23] =	ssyncadd.s32 $0xFFFFFFFF  }
0xab: {  	s26 =	simm.s32 $execute0_lowered;
	[smem:$0x3FD2] =	sst s25  }
0xac: {  	s6 =	sshll.u32 s26, $0x1;
	_ =	strace $0x80000046;
	[dreg:$0x1] =	wrdreg $0xFFFFFFFF  }
0xad: {  	s28 =	simm.s32 $_size_execute0_lowered;
	s4 =	sadd.s32 s4, s6;
	[dreg:$0x0] =	wrdreg $0x0  }
0xae: {  	s6 =	sshll.u32 s28, $0x1;
	[dreg:$0x2] =	wrdreg s4  }
0xaf: {  	[dreg:$0x3] =	wrdreg s6  }
0xb0: {  	[dreg:$0x4] =	wrdreg $0xC0  }
0xb1: {  	_ =	task [dreg:s8], $0x5FFFF  }
0xb2: {  	[dreg:$0x1] =	wrdreg $0xFFFFFFFF  }
0xb3: {  	[dreg:$0x0] =	wrdreg $0x60  }
0xb4: {  	[dreg:$0x2] =	wrdreg s16  }
0xb5: {  	[dreg:$0x3] =	wrdreg s17  }
0xb6: {  	[dreg:$0x4] =	wrdreg s24  }
0xb7: {  	[dreg:$0x5] =	wrdreg $0x9  }
0xb8: {  	_ =	task.clear_ibuf [dreg:s8], $0x6FFFF;
	_ =	strace $0x90000046  }
0xb9: {  	s29 =	simm.s32 $0x9;
	_ =	strace $0x80000048  }
0xba: {  	_ =	swait.ge [sflag:s29], $0x1  }
0xbb: {  	[sflag:s29] =	ssyncadd.s32 $0xFFFFFFFF  }
0xbc: {  	_ =	strace $0x90000048  }
0xbd: {  	_ =	sfence  }
0xbe: {  	s30 =	sld [smem:$0x0];
	_ =	sdelay $0x2  }
0xbf: {  	s31 =	sshll.u32 s1, $0xD;
	s1 =	sshrl.u32 s1, $0x2  }
0xc0: {  	s3 =	sand.u32 $0x4000, s31;
	s1 =	sadd.s32 s1, s30  }
0xc1: {  	s0 =	sor.u32 s3, s0;
	s1 =	sshll.u32 s1, $0x11  }
0xc2: {  	s0 =	sor.u32 s1, s0  }
0xc3: {  	s0 =	sadd.s32 $0x8F2B, s0  }
0xc4: {  	[sflag:s0] =	ssyncadd.remote.s32 $0x1  }
0xc5: {  	_ =	sfence.sel $0xFFFF  }
0xc6: {  	[dreg:$0x0] =	wrdreg $0xFFFFFFFF;
	(pc) =	sbr.abs _section_cstart, $3  }
0xc7: {  	[dreg:$0x1] =	wrdreg $0xFFFFFFFF  }
0xc8: {  	_ =	task.clear_ibuf [dreg:s8], $0x2FFFF;
	_ =	strace $0x9FFFFFFF  }
0xc9: {  	(tm) =	ssettm $0x7FFFFFFF  }
tec
execute0_lowered:
.L_overlay_start_1:
0x0: {  	(tag) =	ssettag $0x1  }
0x1: {  	s5 =	rddreg [dreg:$0x0]  }
0x2: {  	s4 =	rddreg [dreg:$0x1]  }
0x3: {  	s3 =	rddreg [dreg:$0x2]  }
0x4: {  	s0 =	rddreg [dreg:$0x3];
	s2 =	simm.s32 $0x0;
	s6 =	srdreg.scid  }
0x5: {  	s1 =	stileid.u32;
	s10 =	simm.s32 $0x1080;
	s11 =	simm.s32 $0x1880  }
0x6: {  	s12 =	simm.s32 $0x2080;
	s13 =	simm.s32 $0x2880;
	s14 =	simm.s32 $0x3080  }
0x7: {  	s15 =	simm.s32 $0x3880;
	s16 =	simm.s32 $0x4080;
	s17 =	simm.s32 $0x4880  }
0x8: {  	s18 =	simm.s32 $0x5080;
	s19 =	simm.s32 $0x5880;
	s20 =	simm.s32 $0x6080  }
0x9: {  	s21 =	simm.s32 $0x6880;
	s22 =	simm.s32 $0x7080;
	s23 =	simm.s32 $0x7880  }
0xa: {  	s24 =	simm.s32 $0x1;
	[smem:$0x7FF] =	sst s2;
	s6 =	sand.u32 $0x1, s6  }
0xb: {  	s8 =	sshll.u32 s1, $0x1;
	s3 =	sadd.s32 $0x1800, s3;
	s7 =	ssub.s32 $0x2, s6  }
0xc: {  	_ =	strace $0x80000047;
	s6 =	sor.u32 s6, s8;
	s9 =	sshrl.u32 s7, $0x1  }
0xd: {  	v2 =	vlaneseq.u32;
	s8 =	sshll.u32 s6, $0x4;
	s6 =	sshll.u32 s6, $0xC;
	s7 =	ssub.s32 s7, s9  }
0xe: {  	vm0 =	vmmov $0xffff;
	v1 =	vshrl.u32 v2, $0x3;
	s4 =	sadd.s32 s4, s8;
	s5 =	sadd.s32 s5, s6;
	s8 =	simm.s32 $0x80  }
0xf: {  	v0 =	vand.u32 $0x7, v2;
	v2 =	vor.u32 $0x8, v2;
	v1 =	vmul.u32 $0x8, v1;
	s9 =	simm.s32 $0x880;
	s6 =	smax.u32 s7, $0x1;
	s7 =	simm.s32 $0x2  }
.LBB2_1:
0x10: {  	[tilespmem:s2], [sflag:$0x2] =	stream.linear.gather [hbm4b:s4+s2], $0x80, $0x38;
	[tilespmem:$0x8080] =	vst v63  }
0x11: {  	_ =	swait.ge [sflag:s7], $0x80  }
0x12: {  	[sflag:s7] =	ssyncset.done $0x0  }
0x13: {  	[sflag:s7] =	ssyncadd.s32 $0xFFFFFF80  }
0x14: {  	[tilespmem:s8], [sflag:$0x2] =	stream.linear.gather [hbm4b:s5+s2], $0x8000, $0x38;
	[tilespmem:$0x8080] =	vst v63  }
0x15: {  	_ =	swait.ge [sflag:s7], $0x8000  }
0x16: {  	[sflag:s7] =	ssyncset.done $0x0  }
0x17: {  	[sflag:s7] =	ssyncadd.s32 $0xFFFF8000  }
0x18: {  	v3 =	vld [tilespmem:$0x0];
	_ =	sdelay $0x4  }
0x19: {  	v4 =	vshll.u32 v3, $0x1  }
0x1a: {  	v3 =	vand.u32 $0x7, v3;
	v4 =	vand.u32 $0xFFFFFFF0, v4  }
0x1b: {  	v3 =	vor.u32 v3, v4  }
0x1c: {  	v4 =	vperm.xlane v3, v0;
	_ =	sdelay $0x1  }
0x1d: {  	v3 =	vperm.xlane v3, v2;
	v4 =	vadd.s32 v1, v4;
	_ =	sdelay $0x1  }
0x1e: {  	v3 =	vadd.s32 v1, v3;
	_ =	sdelay $0x2  }
0x1f: {  	[hbm4b:s3+s2] =	stream.indirect_vreg.scatter [tilespmem:s8], [sflag:$0x1], $0x80, v4, vm0, $0xb8;
	[tilespmem:$0x8080] =	vst v63  }
0x20: {  	_ = 	snop  }
0x21: {  	[hbm4b:s3+s2] =	stream.indirect_vreg.scatter [tilespmem:s9], [sflag:$0x1], $0x80, v3, vm0, $0xb8;
	[tilespmem:$0x8080] =	vst v63  }
0x22: {  	v3 =	vld [tilespmem:$0x10];
	_ =	sdelay $0x4  }
0x23: {  	v57 =	vshll.u32 v3, $0x1  }
0x24: {  	v3 =	vand.u32 $0x7, v3;
	v4 =	vand.u32 $0xFFFFFFF0, v57  }
0x25: {  	v3 =	vor.u32 v3, v4  }
0x26: {  	v4 =	vperm.xlane v3, v0;
	_ =	sdelay $0x1  }
0x27: {  	v3 =	vperm.xlane v3, v2;
	v4 =	vadd.s32 v1, v4;
	_ =	sdelay $0x1  }
0x28: {  	v3 =	vadd.s32 v1, v3;
	_ =	sdelay $0x2  }
0x29: {  	[hbm4b:s3+s2] =	stream.indirect_vreg.scatter [tilespmem:s10], [sflag:$0x1], $0x80, v4, vm0, $0xb8;
	[tilespmem:$0x8080] =	vst v63  }
0x2a: {  	_ = 	snop  }
0x2b: {  	[hbm4b:s3+s2] =	stream.indirect_vreg.scatter [tilespmem:s11], [sflag:$0x1], $0x80, v3, vm0, $0xb8;
	[tilespmem:$0x8080] =	vst v63  }
0x2c: {  	v3 =	vld [tilespmem:$0x20];
	_ =	sdelay $0x4  }
0x2d: {  	v58 =	vshll.u32 v3, $0x1  }
0x2e: {  	v3 =	vand.u32 $0x7, v3;
	v4 =	vand.u32 $0xFFFFFFF0, v58  }
0x2f: {  	v3 =	vor.u32 v3, v4  }
0x30: {  	v4 =	vperm.xlane v3, v0;
	_ =	sdelay $0x1  }
0x31: {  	v3 =	vperm.xlane v3, v2;
	v4 =	vadd.s32 v1, v4;
	_ =	sdelay $0x1  }
0x32: {  	v3 =	vadd.s32 v1, v3;
	_ =	sdelay $0x2  }
0x33: {  	[hbm4b:s3+s2] =	stream.indirect_vreg.scatter [tilespmem:s12], [sflag:$0x1], $0x80, v4, vm0, $0xb8;
	[tilespmem:$0x8080] =	vst v63  }
0x34: {  	_ = 	snop  }
0x35: {  	[hbm4b:s3+s2] =	stream.indirect_vreg.scatter [tilespmem:s13], [sflag:$0x1], $0x80, v3, vm0, $0xb8;
	[tilespmem:$0x8080] =	vst v63  }
0x36: {  	v3 =	vld [tilespmem:$0x30];
	_ =	sdelay $0x4  }
0x37: {  	v59 =	vshll.u32 v3, $0x1  }
0x38: {  	v3 =	vand.u32 $0x7, v3;
	v4 =	vand.u32 $0xFFFFFFF0, v59  }
0x39: {  	v3 =	vor.u32 v3, v4  }
0x3a: {  	v4 =	vperm.xlane v3, v0;
	_ =	sdelay $0x1  }
0x3b: {  	v3 =	vperm.xlane v3, v2;
	v4 =	vadd.s32 v1, v4;
	_ =	sdelay $0x1  }
0x3c: {  	v3 =	vadd.s32 v1, v3;
	_ =	sdelay $0x2  }
0x3d: {  	[hbm4b:s3+s2] =	stream.indirect_vreg.scatter [tilespmem:s14], [sflag:$0x1], $0x80, v4, vm0, $0xb8;
	[tilespmem:$0x8080] =	vst v63  }
0x3e: {  	_ = 	snop  }
0x3f: {  	[hbm4b:s3+s2] =	stream.indirect_vreg.scatter [tilespmem:s15], [sflag:$0x1], $0x80, v3, vm0, $0xb8;
	[tilespmem:$0x8080] =	vst v63  }
0x40: {  	v3 =	vld [tilespmem:$0x40];
	_ =	sdelay $0x4  }
0x41: {  	v60 =	vshll.u32 v3, $0x1  }
0x42: {  	v3 =	vand.u32 $0x7, v3;
	v4 =	vand.u32 $0xFFFFFFF0, v60  }
0x43: {  	v3 =	vor.u32 v3, v4  }
0x44: {  	v4 =	vperm.xlane v3, v0;
	_ =	sdelay $0x1  }
0x45: {  	v3 =	vperm.xlane v3, v2;
	v4 =	vadd.s32 v1, v4;
	_ =	sdelay $0x1  }
0x46: {  	v3 =	vadd.s32 v1, v3;
	_ =	sdelay $0x2  }
0x47: {  	[hbm4b:s3+s2] =	stream.indirect_vreg.scatter [tilespmem:s16], [sflag:$0x1], $0x80, v4, vm0, $0xb8;
	[tilespmem:$0x8080] =	vst v63  }
0x48: {  	_ = 	snop  }
0x49: {  	[hbm4b:s3+s2] =	stream.indirect_vreg.scatter [tilespmem:s17], [sflag:$0x1], $0x80, v3, vm0, $0xb8;
	[tilespmem:$0x8080] =	vst v63  }
0x4a: {  	v3 =	vld [tilespmem:$0x50];
	_ =	sdelay $0x4  }
0x4b: {  	v61 =	vshll.u32 v3, $0x1  }
0x4c: {  	v3 =	vand.u32 $0x7, v3;
	v4 =	vand.u32 $0xFFFFFFF0, v61  }
0x4d: {  	v3 =	vor.u32 v3, v4  }
0x4e: {  	v4 =	vperm.xlane v3, v0;
	_ =	sdelay $0x1  }
0x4f: {  	v3 =	vperm.xlane v3, v2;
	v4 =	vadd.s32 v1, v4;
	_ =	sdelay $0x1  }
0x50: {  	v3 =	vadd.s32 v1, v3;
	_ =	sdelay $0x2  }
0x51: {  	[hbm4b:s3+s2] =	stream.indirect_vreg.scatter [tilespmem:s18], [sflag:$0x1], $0x80, v4, vm0, $0xb8;
	[tilespmem:$0x8080] =	vst v63  }
0x52: {  	_ = 	snop  }
0x53: {  	[hbm4b:s3+s2] =	stream.indirect_vreg.scatter [tilespmem:s19], [sflag:$0x1], $0x80, v3, vm0, $0xb8;
	[tilespmem:$0x8080] =	vst v63  }
0x54: {  	v3 =	vld [tilespmem:$0x60];
	_ =	sdelay $0x4  }
0x55: {  	v62 =	vshll.u32 v3, $0x1  }
0x56: {  	v3 =	vand.u32 $0x7, v3;
	v4 =	vand.u32 $0xFFFFFFF0, v62  }
0x57: {  	v3 =	vor.u32 v3, v4  }
0x58: {  	v4 =	vperm.xlane v3, v0;
	_ =	sdelay $0x1  }
0x59: {  	v3 =	vperm.xlane v3, v2;
	v4 =	vadd.s32 v1, v4;
	_ =	sdelay $0x1  }
0x5a: {  	v3 =	vadd.s32 v1, v3;
	_ =	sdelay $0x2  }
0x5b: {  	[hbm4b:s3+s2] =	stream.indirect_vreg.scatter [tilespmem:s20], [sflag:$0x1], $0x80, v4, vm0, $0xb8;
	[tilespmem:$0x8080] =	vst v63  }
0x5c: {  	_ = 	snop  }
0x5d: {  	[hbm4b:s3+s2] =	stream.indirect_vreg.scatter [tilespmem:s21], [sflag:$0x1], $0x80, v3, vm0, $0xb8;
	[tilespmem:$0x8080] =	vst v63  }
0x5e: {  	v3 =	vld [tilespmem:$0x70];
	_ =	sdelay $0x4  }
0x5f: {  	v63 =	vshll.u32 v3, $0x1  }
0x60: {  	v3 =	vand.u32 $0x7, v3;
	v4 =	vand.u32 $0xFFFFFFF0, v63  }
0x61: {  	v3 =	vor.u32 v3, v4  }
0x62: {  	v4 =	vperm.xlane v3, v0;
	_ =	sdelay $0x1  }
0x63: {  	v3 =	vperm.xlane v3, v2;
	v4 =	vadd.s32 v1, v4;
	_ =	sdelay $0x1  }
0x64: {  	v3 =	vadd.s32 v1, v3;
	_ =	sdelay $0x1  }
0x65: {  	p0 =	sne.s32 s6, $0x1  }
0x66: {  	[hbm4b:s3+s2] =	stream.indirect_vreg.scatter [tilespmem:s22], [sflag:$0x1], $0x80, v4, vm0, $0xb8;
	[tilespmem:$0x8080] =	vst v63  }
.Ltmp0:
0x67: {  	_ = 	snop;
	(pc) =	sbr.rel @p0 .LBB2_1-.Ltmp0, $4  }
0x68: {  	[hbm4b:s3+s2] =	stream.indirect_vreg.scatter [tilespmem:s23], [sflag:$0x1], $0x80, v3, vm0, $0xb8;
	[tilespmem:$0x8080] =	vst v63  }
0x69: {  	_ =	swait.ge [sflag:s24], $0x8000  }
0x6a: {  	[sflag:s24] =	ssyncset.done $0x0  }
0x6b: {  	s6 =	sadd.s32 $0xFFFFFFFF, s6;
	[sflag:s24] =	ssyncadd.s32 $0xFFFF8000  }
0x6c: {  	_ =	sfence.sel $0x180000  }
0x6d: {  	[bflag:$0x0] =	sbarrier.arrive $0xFFFF  }
0x6e: {  	p0 =	sne.s32 s1, $0x0;
	_ =	strace $0x90000047  }
0x6f: {  	s0 =	sadd.s32 @!p0 $0x100000, s0;
	[bflag:$0x2] =	sbarrier.arrive $0xFFFF  }
0x70: {  	[sflag:s0] =	ssyncadd.tile.s32 @!p0 $0x1;
	_ =	shalt  }
.Lfunc_end2:
_tile_overlayer_lowered:
.L_overlay_start_2:
0x71: {  	(tag) =	ssettag $0x2  }
0x72: {  	s0 =	rddreg [dreg:$0x0];
	s2 =	stileid.u32  }
0x73: {  	s1 =	rddreg [dreg:$0x1];
	p0 =	sne.s32 s2, $0x0  }
0x74: {  	s3 =	rddreg [dreg:$0x2];
	[bflag:$0x3] =	sbarrier.arrive $0xFFFF;
	s2 =	simm.s32 @!p0 $0x1C02  }
0x75: {  	[timem:s3], [sflag:s2] =	dma.local @!p0 [hbm:s0], s1  }
0x76: {  	s0 =	simm.s32 @!p0 $0x2  }
0x77: {  	_ =	swait.ge @!p0 [sflag:s0], s1  }
0x78: {  	s1 =	ssub.s32 @!p0 $0x0, s1;
	[sflag:s0] =	ssyncset.done @!p0 $0x0  }
0x79: {  	[sflag:s0] =	ssyncadd.s32 @!p0 s1  }
0x7a: {  	[bflag:$0x3] =	sbarrier.arrive $0xFFFF  }
0x7b: {  	_ =	shalt  }

// kernel: kernel.9.cloned.1.call-start
scs
__scs_entry_jumppad:
0x0: {  	(pc) =	sbr.rel $0x88, $3  }
0x1: {  	(tag) =	ssettag $0x0;
	lr =	simm.s32 $0x1  }
0x2: {  	[smem:$0x3F9E] =	sst lr;
	_ =	strace $0xD0000000  }
0x3: {  	_ = 	snop  }
0x4: {  	_ = 	snop  }
0x5: {  	_ = 	snop  }
0x6: {  	_ = 	snop  }
0x7: {  	_ = 	snop  }
__scs_overlays_trampoline_lowered:
0x8: {  	[smem:$0x3FAD] =	sst s0  }
0x9: {  	[smem:$0x3FAE] =	sst s1  }
0xa: {  	[smem:$0x3FAF] =	sst s2  }
0xb: {  	[smem:$0x3FB0] =	sst s3  }
0xc: {  	[smem:$0x3FB1] =	sst s4  }
0xd: {  	[smem:$0x3FB2] =	sst s5  }
0xe: {  	[smem:$0x3FB3] =	sst s6  }
0xf: {  	[smem:$0x3FB4] =	sst s7  }
0x10: {  	[smem:$0x3FB5] =	sst s8  }
0x11: {  	[smem:$0x3FB6] =	sst s9;
	s0 =	simm.s32 @!p0 $0x0  }
0x12: {  	s1 =	sld [smem:$0x3F9C];
	s0 =	simm.s32 @p0 $0x1  }
0x13: {  	[smem:$0x3FB7] =	sst s0;
	s0 =	simm.s32 @!p1 $0x0  }
0x14: {  	s2 =	sld [smem:$0x3F9B];
	s0 =	simm.s32 @p1 $0x1  }
0x15: {  	[smem:$0x3FB8] =	sst s0;
	s0 =	simm.s32 @!p2 $0x0  }
0x16: {  	s3 =	sld [smem:$0x3FDB];
	s0 =	simm.s32 @p2 $0x1  }
0x17: {  	s4 =	simm.s32 $0x1BF5;
	[smem:$0x3FBA] =	sst s0  }
0x18: {  	s0 =	sld [smem:$0x3F9D];
	_ =	swait.ge [sflag:s4], $0x0  }
0x19: {  	s7 =	sld [smem:$0x3F9E]  }
0x1a: {  	s8 =	sadd.s32 $0xFFFFE003, lr  }
0x1b: {  	s9 =	sadd.s32 $0xFFFFFEF7, lr;
	s5 =	simm.s32 $0xFFFFFFFF;
	p2 =	slt.u32 s8, $0xFFFFF086  }
0x1c: {  	p1 =	slt.u32 s9, $0xF7A;
	s5 =	simm.s32 @!p2 $0x0  }
0x1d: {  	s5 =	simm.s32 @p1 $0x1;
	p0 =	seq.s32 s7, s2  }
0x1e: {  	s7 =	smul.u32 @!p0 $0xF7A, s2;
	p2 =	seq.s32 @!p0 s5, $0x0  }
0x1f: {  	s9 =	smul.u32 $0xF7A, s1;
	s8 =	simm.s32 @!p0 $0x1BF5;
	p2 =	por !p2, p0  }
0x20: {  	[sflag:s8] =	ssyncset.s32 @!p0 $0xFFFFF086;
	s6 =	sadd.s32 @!p0 s3, s7;
	s7 =	simm.s32 @!p0 $0x108  }
0x21: {  	s3 =	sadd.s32 s3, s9;
	s6 =	sadd.s32 @!p0 $0x88, s6;
	s7 =	simm.s32 @p2 $0x1082  }
0x22: {  	[simem:s7], [sflag:s8] =	dma.local @!p0 [hbm:s6], $0xF7A  }
0x23: {  	s9 =	sor.u32 $0xD0000000, s2;
	s6 =	simm.s32 $0x108;
	_ =	swait.ge @!p0 [sflag:s8], $0x0  }
0x24: {  	s3 =	sadd.s32 $0x88, s3;
	s6 =	simm.s32 @!p1 $0x1082;
	[sflag:s4] =	ssyncset.s32 $0xFFFFF086  }
0x25: {  	[simem:s6], [sflag:s4] =	dma.local [hbm:s3], $0xF7A  }
0x26: {  	[smem:$0x3F9E] =	sst s1;
	(tag) =	ssettag s2;
	_ =	strace s9  }
0x27: {  	s1 =	sld [smem:$0x3FAE]  }
0x28: {  	s2 =	sld [smem:$0x3FAF]  }
0x29: {  	s4 =	sld [smem:$0x3FB1]  }
0x2a: {  	p0 =	seq.s32 s5, $0x0;
	s5 =	sld [smem:$0x3FB2]  }
0x2b: {  	s6 =	sld [smem:$0x3FB3]  }
0x2c: {  	s7 =	sld [smem:$0x3FB4]  }
0x2d: {  	s3 =	simm.s32 $0x108;
	s8 =	sld [smem:$0x3FB5]  }
0x2e: {  	s3 =	simm.s32 @!p0 $0x1082;
	s9 =	sld [smem:$0x3FB6]  }
0x2f: {  	lr =	sadd.s32 s0, s3;
	s0 =	sld [smem:$0x3FAD]  }
0x30: {  	s3 =	sld [smem:$0x3FB0]  }
0x31: {  	[smem:$0x3FB9] =	sst s10  }
0x32: {  	s10 =	sld [smem:$0x3FB7];
	_ =	sdelay $0x3  }
0x33: {  	p0 =	seq.s32 s10, $0x1;
	s10 =	sld [smem:$0x3FB9];
	_ =	sdelay $0x3  }
0x34: {  	[smem:$0x3FB9] =	sst s10  }
0x35: {  	s10 =	sld [smem:$0x3FB8];
	_ =	sdelay $0x3  }
0x36: {  	p1 =	seq.s32 s10, $0x1;
	s10 =	sld [smem:$0x3FB9];
	_ =	sdelay $0x3  }
0x37: {  	[smem:$0x3FB9] =	sst s10  }
0x38: {  	s10 =	sld [smem:$0x3FBA]  }
0x39: {  	_ = 	snop;
	(pc) =	sbr.ind lr, $3  }
0x3a: {  	_ = 	snop  }
0x3b: {  	_ = 	snop  }
0x3c: {  	p2 =	seq.s32 s10, $0x1;
	s10 =	sld [smem:$0x3FB9]  }
0x3d: {  	_ =	shalt  }
0x3e: {  	_ =	shalt  }
0x3f: {  	_ =	shalt  }
0x40: {  	_ =	shalt  }
0x41: {  	_ =	shalt  }
0x42: {  	_ =	shalt  }
0x43: {  	_ =	shalt  }
0x44: {  	_ =	shalt  }
0x45: {  	_ =	shalt  }
0x46: {  	_ =	shalt  }
0x47: {  	_ =	shalt  }
0x48: {  	_ =	shalt  }
0x49: {  	_ =	shalt  }
0x4a: {  	_ =	shalt  }
0x4b: {  	_ =	shalt  }
0x4c: {  	_ =	shalt  }
0x4d: {  	_ =	shalt  }
0x4e: {  	_ =	shalt  }
0x4f: {  	_ =	shalt  }
0x50: {  	_ =	shalt  }
0x51: {  	_ =	shalt  }
0x52: {  	_ =	shalt  }
0x53: {  	_ =	shalt  }
0x54: {  	_ =	shalt  }
0x55: {  	_ =	shalt  }
0x56: {  	_ =	shalt  }
0x57: {  	_ =	shalt  }
0x58: {  	_ =	shalt  }
0x59: {  	_ =	shalt  }
0x5a: {  	_ =	shalt  }
0x5b: {  	_ =	shalt  }
0x5c: {  	_ =	shalt  }
0x5d: {  	_ =	shalt  }
0x5e: {  	_ =	shalt  }
0x5f: {  	_ =	shalt  }
0x60: {  	_ =	shalt  }
0x61: {  	_ =	shalt  }
0x62: {  	_ =	shalt  }
0x63: {  	_ =	shalt  }
0x64: {  	_ =	shalt  }
0x65: {  	_ =	shalt  }
0x66: {  	_ =	shalt  }
0x67: {  	_ =	shalt  }
0x68: {  	_ =	shalt  }
0x69: {  	_ =	shalt  }
0x6a: {  	_ =	shalt  }
0x6b: {  	_ =	shalt  }
0x6c: {  	_ =	shalt  }
0x6d: {  	_ =	shalt  }
0x6e: {  	_ =	shalt  }
0x6f: {  	_ =	shalt  }
0x70: {  	_ =	shalt  }
0x71: {  	_ =	shalt  }
0x72: {  	_ =	shalt  }
0x73: {  	_ =	shalt  }
0x74: {  	_ =	shalt  }
0x75: {  	_ =	shalt  }
0x76: {  	_ =	shalt  }
0x77: {  	_ =	shalt  }
0x78: {  	_ =	shalt  }
0x79: {  	_ =	shalt  }
0x7a: {  	_ =	shalt  }
0x7b: {  	_ =	shalt  }
0x7c: {  	_ =	shalt  }
0x7d: {  	_ =	shalt  }
0x7e: {  	_ =	shalt  }
0x7f: {  	_ =	shalt  }
0x80: {  	_ =	shalt  }
0x81: {  	_ =	shalt  }
0x82: {  	_ =	shalt  }
0x83: {  	_ =	shalt  }
0x84: {  	_ =	shalt  }
0x85: {  	_ =	shalt  }
0x86: {  	_ =	shalt  }
0x87: {  	_ =	shalt  }
.Lfunc_end0:
.L_simem_size_0:
called_computation.1_lowered:
.L_overlay_start_0:
0x88: {  	s2 =	sld [smem:$0x3FD9]  }
0x89: {  	s3 =	sld [smem:$0x3FFE];
	_ =	sdelay $0x1  }
0x8a: {  	s1 =	srdreg.scid  }
0x8b: {  	s0 =	sand.u32 $0x1, s1  }
0x8c: {  	s14 =	sshll.u32 s0, $0xA;
	s2 =	sadd.s32 s3, s2  }
0x8d: {  	s2 =	sadd.s32 s2, s14  }
0x8e: {  	[smem:$0x3FC5] =	sst s2  }
0x8f: {  	_ = 	snop  }
0x90: {  	s2 =	sld [smem:$0x3FD0];
	_ =	sdelay $0x2  }
0x91: {  	s15 =	simm.s32 $0xA;
	s4 =	simm.s32 $0x10  }
0x92: {  	[smem:s4], [sflag:s15] =	dma.local [hbm:s2], $0x1  }
0x93: {  	_ =	swait.eq [sflag:s15], $0x1  }
0x94: {  	[sflag:s15] =	ssyncset.done $0x0  }
0x95: {  	[sflag:s15] =	ssyncadd.s32 $0xFFFFFFFF  }
0x96: {  	s16 =	sld [smem:$0x10];
	(tm) =	ssettm $0x1  }
0x97: {  	s17 =	sld [smem:$0x3FFB];
	_ =	sdelay $0x3  }
0x98: {  	_ =	strace s17  }
0x99: {  	s3 =	sld [smem:$0x3FFC];
	_ =	sdelay $0x3  }
0x9a: {  	_ =	strace s3  }
0x9b: {  	s3 =	sld [smem:$0x3FFD];
	_ =	sdelay $0x3  }
0x9c: {  	_ =	strace s3  }
0x9d: {  	_ =	strace $0x8FFFFFFF  }
0x9e: {  	s18 =	sld [smem:$0x3FDB];
	_ =	sdelay $0x1  }
0x9f: {  	s19 =	simm.s32 $_scs_section_size  }
0xa0: {  	s5 =	simm.s32 $_size__tile_overlayer_lowered;
	s6 =	simm.s32 $_tile_overlayer_lowered  }
0xa1: {  	s22 =	simm.s32 $0x1BFF;
	s21 =	sshll.u32 s6, $0x1;
	s3 =	sadd.s32 s19, s18  }
0xa2: {  	s7 =	simm.s32 $0x0;
	s20 =	sshll.u32 s5, $0x1;
	s5 =	sadd.s32 s21, s3  }
0xa3: {  	[timem:s7], [sflag:s22] =	dma.local [hbm:s5], s20  }
0xa4: {  	_ =	swait.ge [sflag:s22], s20  }
0xa5: {  	s4 =	ssub.s32 $0x0, s20;
	[sflag:s22] =	ssyncset.done $0x0  }
0xa6: {  	[sflag:s22] =	ssyncadd.s32 s4;
	_ =	sdelay $0x1  }
0xa7: {  	s23 =	simm.s32 $0x1B8B  }
0xa8: {  	_ =	swait.ge [sflag:s23], $0x1  }
0xa9: {  	[sflag:s23] =	ssyncset.done $0x0  }
0xaa: {  	s25 =	simm.s32 $0x1B8E;
	s24 =	sld [smem:$0x3FFE];
	[sflag:s23] =	ssyncadd.s32 $0xFFFFFFFF  }
0xab: {  	s26 =	simm.s32 $execute0_lowered;
	[smem:$0x3FD2] =	sst s25  }
0xac: {  	s5 =	sshll.u32 s26, $0x1;
	_ =	strace $0x80000049;
	[dreg:$0x1] =	wrdreg $0xFFFFFFFF  }
0xad: {  	s28 =	simm.s32 $_size_execute0_lowered;
	s3 =	sadd.s32 s3, s5;
	[dreg:$0x0] =	wrdreg $0x0  }
0xae: {  	s5 =	sshll.u32 s28, $0x1;
	[dreg:$0x2] =	wrdreg s3  }
0xaf: {  	[dreg:$0x3] =	wrdreg s5  }
0xb0: {  	[dreg:$0x4] =	wrdreg $0xC0  }
0xb1: {  	_ =	task [dreg:s7], $0x5FFFF  }
0xb2: {  	[dreg:$0x1] =	wrdreg $0xFFFFFFFF  }
0xb3: {  	[dreg:$0x0] =	wrdreg $0x60  }
0xb4: {  	[dreg:$0x2] =	wrdreg s24  }
0xb5: {  	[dreg:$0x3] =	wrdreg s16  }
0xb6: {  	[dreg:$0x4] =	wrdreg $0x9  }
0xb7: {  	_ =	task.clear_ibuf [dreg:s7], $0x5FFFF;
	_ =	strace $0x90000049  }
0xb8: {  	s29 =	simm.s32 $0x9;
	_ =	strace $0x8000004B  }
0xb9: {  	_ =	swait.ge [sflag:s29], $0x1  }
0xba: {  	[sflag:s29] =	ssyncadd.s32 $0xFFFFFFFF  }
0xbb: {  	_ =	strace $0x9000004B  }
0xbc: {  	_ =	sfence  }
0xbd: {  	s30 =	sld [smem:$0x0];
	_ =	sdelay $0x2  }
0xbe: {  	s31 =	sshll.u32 s1, $0xD;
	s1 =	sshrl.u32 s1, $0x2  }
0xbf: {  	s3 =	sand.u32 $0x4000, s31;
	s1 =	sadd.s32 s1, s30  }
0xc0: {  	s0 =	sor.u32 s3, s0;
	s1 =	sshll.u32 s1, $0x11  }
0xc1: {  	s0 =	sor.u32 s1, s0  }
0xc2: {  	s0 =	sadd.s32 $0x8F2B, s0  }
0xc3: {  	[sflag:s0] =	ssyncadd.remote.s32 $0x1  }
0xc4: {  	_ =	sfence.sel $0xFFFF  }
0xc5: {  	[dreg:$0x0] =	wrdreg $0xFFFFFFFF;
	(pc) =	sbr.abs _section_cstart, $3  }
0xc6: {  	[dreg:$0x1] =	wrdreg $0xFFFFFFFF  }
0xc7: {  	_ =	task.clear_ibuf [dreg:s7], $0x2FFFF;
	_ =	strace $0x9FFFFFFF  }
0xc8: {  	(tm) =	ssettm $0x7FFFFFFF  }
0xc9: {  	_ =	shalt  }
tec
execute0_lowered:
.L_overlay_start_1:
0x0: {  	(tag) =	ssettag $0x1  }
0x1: {  	s4 =	rddreg [dreg:$0x0]  }
0x2: {  	s5 =	rddreg [dreg:$0x1]  }
0x3: {  	s0 =	rddreg [dreg:$0x2];
	s3 =	srdreg.scid  }
0x4: {  	s2 =	simm.s32 $0x0;
	s1 =	stileid.u32;
	s10 =	simm.s32 $0x1080  }
0x5: {  	s11 =	simm.s32 $0x1880;
	s12 =	simm.s32 $0x2080;
	s13 =	simm.s32 $0x2880  }
0x6: {  	s14 =	simm.s32 $0x3080;
	s15 =	simm.s32 $0x3880;
	s16 =	simm.s32 $0x4080  }
0x7: {  	s17 =	simm.s32 $0x4880;
	s18 =	simm.s32 $0x5080;
	s19 =	simm.s32 $0x5880  }
0x8: {  	s20 =	simm.s32 $0x6080;
	s21 =	simm.s32 $0x6880;
	s22 =	simm.s32 $0x7080  }
0x9: {  	s23 =	simm.s32 $0x7880;
	s24 =	simm.s32 $0x1;
	s25 =	simm.s32 $0x0  }
0xa: {  	s6 =	sand.u32 $0x1, s3;
	[smem:$0x7FF] =	sst s2;
	s29 =	sshll.u32 s1, $0xB  }
0xb: {  	s3 =	sadd.s32 $0x22800, s4;
	s31 =	sshll.u32 s1, $0x10;
	s7 =	sshll.u32 s6, $0xA  }
0xc: {  	_ =	strace $0x8000004A;
	s8 =	ssub.s32 $0x2, s6;
	s5 =	sadd.s32 s31, s5  }
0xd: {  	s6 =	sshll.u32 s6, $0xF;
	s7 =	sor.u32 s7, s29;
	s9 =	sshrl.u32 s8, $0x1  }
0xe: {  	v2 =	vlaneseq.u32;
	s5 =	sadd.s32 s6, s5;
	s7 =	sshrl.u32 s7, $0x3;
	s30 =	ssub.s32 s8, s9  }
0xf: {  	vm0 =	vmmov $0xffff;
	v1 =	vshrl.u32 v2, $0x3;
	s8 =	simm.s32 $0x80;
	s9 =	simm.s32 $0x880;
	s7 =	sadd.s32 s7, s4  }
0x10: {  	v0 =	vand.u32 $0x7, v2;
	v2 =	vor.u32 $0x8, v2;
	v1 =	vmul.u32 $0x8, v1;
	s4 =	smax.u32 s30, $0x1;
	s6 =	sadd.s32 $0x21800, s7;
	s7 =	simm.s32 $0x2  }
.LBB2_1:
0x11: {  	s26 =	smov.u32 s5;
	s28 =	simm.s32 $0x0  }
.LBB2_2:
0x12: {  	s29 =	sadd.s32 s28, s6  }
0x13: {  	[tilespmem:s2], [sflag:$0x2] =	stream.linear.gather [hbm4b:s29+s2], $0x80, $0x38;
	[tilespmem:$0x8080] =	vst v63  }
0x14: {  	_ =	swait.ge [sflag:s7], $0x80  }
0x15: {  	[sflag:s7] =	ssyncset.done $0x0  }
0x16: {  	[sflag:s7] =	ssyncadd.s32 $0xFFFFFF80  }
0x17: {  	v3 =	vld [tilespmem:$0x0];
	_ =	sdelay $0x4  }
0x18: {  	v4 =	vshll.u32 v3, $0x1  }
0x19: {  	v3 =	vand.u32 $0x7, v3;
	v4 =	vand.u32 $0xFFFFFFF0, v4  }
0x1a: {  	v3 =	vor.u32 v3, v4  }
0x1b: {  	v4 =	vperm.xlane v3, v0;
	_ =	sdelay $0x1  }
0x1c: {  	v3 =	vperm.xlane v3, v2;
	v4 =	vadd.s32 v1, v4;
	_ =	sdelay $0x1  }
0x1d: {  	v3 =	vadd.s32 v1, v3;
	_ =	sdelay $0x2  }
0x1e: {  	[tilespmem:s8], [sflag:$0x1] =	stream.indirect_vreg.gather [hbm4b:s3+s2], $0x80, v4, vm0, $0xb8;
	[tilespmem:$0x8080] =	vst v63  }
0x1f: {  	_ = 	snop  }
0x20: {  	[tilespmem:s9], [sflag:$0x1] =	stream.indirect_vreg.gather [hbm4b:s3+s2], $0x80, v3, vm0, $0xb8;
	[tilespmem:$0x8080] =	vst v63  }
0x21: {  	v3 =	vld [tilespmem:$0x10];
	_ =	sdelay $0x4  }
0x22: {  	v57 =	vshll.u32 v3, $0x1  }
0x23: {  	v3 =	vand.u32 $0x7, v3;
	v4 =	vand.u32 $0xFFFFFFF0, v57  }
0x24: {  	v3 =	vor.u32 v3, v4  }
0x25: {  	v4 =	vperm.xlane v3, v0;
	_ =	sdelay $0x1  }
0x26: {  	v3 =	vperm.xlane v3, v2;
	v4 =	vadd.s32 v1, v4;
	_ =	sdelay $0x1  }
0x27: {  	v3 =	vadd.s32 v1, v3;
	_ =	sdelay $0x2  }
0x28: {  	[tilespmem:s10], [sflag:$0x1] =	stream.indirect_vreg.gather [hbm4b:s3+s2], $0x80, v4, vm0, $0xb8;
	[tilespmem:$0x8080] =	vst v63  }
0x29: {  	_ = 	snop  }
0x2a: {  	[tilespmem:s11], [sflag:$0x1] =	stream.indirect_vreg.gather [hbm4b:s3+s2], $0x80, v3, vm0, $0xb8;
	[tilespmem:$0x8080] =	vst v63  }
0x2b: {  	v3 =	vld [tilespmem:$0x20];
	_ =	sdelay $0x4  }
0x2c: {  	v58 =	vshll.u32 v3, $0x1  }
0x2d: {  	v3 =	vand.u32 $0x7, v3;
	v4 =	vand.u32 $0xFFFFFFF0, v58  }
0x2e: {  	v3 =	vor.u32 v3, v4  }
0x2f: {  	v4 =	vperm.xlane v3, v0;
	_ =	sdelay $0x1  }
0x30: {  	v3 =	vperm.xlane v3, v2;
	v4 =	vadd.s32 v1, v4;
	_ =	sdelay $0x1  }
0x31: {  	v3 =	vadd.s32 v1, v3;
	_ =	sdelay $0x2  }
0x32: {  	[tilespmem:s12], [sflag:$0x1] =	stream.indirect_vreg.gather [hbm4b:s3+s2], $0x80, v4, vm0, $0xb8;
	[tilespmem:$0x8080] =	vst v63  }
0x33: {  	_ = 	snop  }
0x34: {  	[tilespmem:s13], [sflag:$0x1] =	stream.indirect_vreg.gather [hbm4b:s3+s2], $0x80, v3, vm0, $0xb8;
	[tilespmem:$0x8080] =	vst v63  }
0x35: {  	v3 =	vld [tilespmem:$0x30];
	_ =	sdelay $0x4  }
0x36: {  	v59 =	vshll.u32 v3, $0x1  }
0x37: {  	v3 =	vand.u32 $0x7, v3;
	v4 =	vand.u32 $0xFFFFFFF0, v59  }
0x38: {  	v3 =	vor.u32 v3, v4  }
0x39: {  	v4 =	vperm.xlane v3, v0;
	_ =	sdelay $0x1  }
0x3a: {  	v3 =	vperm.xlane v3, v2;
	v4 =	vadd.s32 v1, v4;
	_ =	sdelay $0x1  }
0x3b: {  	v3 =	vadd.s32 v1, v3;
	_ =	sdelay $0x2  }
0x3c: {  	[tilespmem:s14], [sflag:$0x1] =	stream.indirect_vreg.gather [hbm4b:s3+s2], $0x80, v4, vm0, $0xb8;
	[tilespmem:$0x8080] =	vst v63  }
0x3d: {  	_ = 	snop  }
0x3e: {  	[tilespmem:s15], [sflag:$0x1] =	stream.indirect_vreg.gather [hbm4b:s3+s2], $0x80, v3, vm0, $0xb8;
	[tilespmem:$0x8080] =	vst v63  }
0x3f: {  	v3 =	vld [tilespmem:$0x40];
	_ =	sdelay $0x4  }
0x40: {  	v60 =	vshll.u32 v3, $0x1  }
0x41: {  	v3 =	vand.u32 $0x7, v3;
	v4 =	vand.u32 $0xFFFFFFF0, v60  }
0x42: {  	v3 =	vor.u32 v3, v4  }
0x43: {  	v4 =	vperm.xlane v3, v0;
	_ =	sdelay $0x1  }
0x44: {  	v3 =	vperm.xlane v3, v2;
	v4 =	vadd.s32 v1, v4;
	_ =	sdelay $0x1  }
0x45: {  	v3 =	vadd.s32 v1, v3;
	_ =	sdelay $0x2  }
0x46: {  	[tilespmem:s16], [sflag:$0x1] =	stream.indirect_vreg.gather [hbm4b:s3+s2], $0x80, v4, vm0, $0xb8;
	[tilespmem:$0x8080] =	vst v63  }
0x47: {  	_ = 	snop  }
0x48: {  	[tilespmem:s17], [sflag:$0x1] =	stream.indirect_vreg.gather [hbm4b:s3+s2], $0x80, v3, vm0, $0xb8;
	[tilespmem:$0x8080] =	vst v63  }
0x49: {  	v3 =	vld [tilespmem:$0x50];
	_ =	sdelay $0x4  }
0x4a: {  	v61 =	vshll.u32 v3, $0x1  }
0x4b: {  	v3 =	vand.u32 $0x7, v3;
	v4 =	vand.u32 $0xFFFFFFF0, v61  }
0x4c: {  	v3 =	vor.u32 v3, v4  }
0x4d: {  	v4 =	vperm.xlane v3, v0;
	_ =	sdelay $0x1  }
0x4e: {  	v3 =	vperm.xlane v3, v2;
	v4 =	vadd.s32 v1, v4;
	_ =	sdelay $0x1  }
0x4f: {  	v3 =	vadd.s32 v1, v3;
	_ =	sdelay $0x2  }
0x50: {  	[tilespmem:s18], [sflag:$0x1] =	stream.indirect_vreg.gather [hbm4b:s3+s2], $0x80, v4, vm0, $0xb8;
	[tilespmem:$0x8080] =	vst v63  }
0x51: {  	_ = 	snop  }
0x52: {  	[tilespmem:s19], [sflag:$0x1] =	stream.indirect_vreg.gather [hbm4b:s3+s2], $0x80, v3, vm0, $0xb8;
	[tilespmem:$0x8080] =	vst v63  }
0x53: {  	v3 =	vld [tilespmem:$0x60];
	_ =	sdelay $0x4  }
0x54: {  	v62 =	vshll.u32 v3, $0x1  }
0x55: {  	v3 =	vand.u32 $0x7, v3;
	v4 =	vand.u32 $0xFFFFFFF0, v62  }
0x56: {  	v3 =	vor.u32 v3, v4  }
0x57: {  	v4 =	vperm.xlane v3, v0;
	_ =	sdelay $0x1  }
0x58: {  	v3 =	vperm.xlane v3, v2;
	v4 =	vadd.s32 v1, v4;
	_ =	sdelay $0x1  }
0x59: {  	v3 =	vadd.s32 v1, v3;
	_ =	sdelay $0x2  }
0x5a: {  	[tilespmem:s20], [sflag:$0x1] =	stream.indirect_vreg.gather [hbm4b:s3+s2], $0x80, v4, vm0, $0xb8;
	[tilespmem:$0x8080] =	vst v63  }
0x5b: {  	_ = 	snop  }
0x5c: {  	[tilespmem:s21], [sflag:$0x1] =	stream.indirect_vreg.gather [hbm4b:s3+s2], $0x80, v3, vm0, $0xb8;
	[tilespmem:$0x8080] =	vst v63  }
0x5d: {  	v3 =	vld [tilespmem:$0x70];
	_ =	sdelay $0x4  }
0x5e: {  	v63 =	vshll.u32 v3, $0x1  }
0x5f: {  	v3 =	vand.u32 $0x7, v3;
	v4 =	vand.u32 $0xFFFFFFF0, v63  }
0x60: {  	v3 =	vor.u32 v3, v4  }
0x61: {  	v4 =	vperm.xlane v3, v0;
	_ =	sdelay $0x1  }
0x62: {  	v3 =	vperm.xlane v3, v2;
	v4 =	vadd.s32 v1, v4;
	_ =	sdelay $0x1  }
0x63: {  	v3 =	vadd.s32 v1, v3;
	_ =	sdelay $0x2  }
0x64: {  	[tilespmem:s22], [sflag:$0x1] =	stream.indirect_vreg.gather [hbm4b:s3+s2], $0x80, v4, vm0, $0xb8;
	[tilespmem:$0x8080] =	vst v63  }
0x65: {  	_ = 	snop  }
0x66: {  	[tilespmem:s23], [sflag:$0x1] =	stream.indirect_vreg.gather [hbm4b:s3+s2], $0x80, v3, vm0, $0xb8;
	[tilespmem:$0x8080] =	vst v63  }
0x67: {  	_ =	swait.ge [sflag:s24], $0x8000  }
0x68: {  	p0 =	sne.s32 s28, $0x70;
	[sflag:s24] =	ssyncset.done $0x0  }
.Ltmp0:
0x69: {  	[sflag:s24] =	ssyncadd.s32 $0xFFFF8000;
	(pc) =	sbr.rel @p0 .LBB2_2-.Ltmp0, $4  }
0x6a: {  	[hbm4b:s26+s2] =	stream.linear.scatter [tilespmem:s8], [sflag:$0x2], $0x8000, $0x38;
	[tilespmem:$0x8080] =	vst v63  }
0x6b: {  	_ =	swait.ge [sflag:s7], $0x8000  }
0x6c: {  	[sflag:s7] =	ssyncset.done $0x0  }
0x6d: {  	s28 =	sadd.s32 $0x10, s28;
	s26 =	sadd.s32 $0x1000, s26;
	[sflag:s7] =	ssyncadd.s32 $0xFFFF8000  }
0x6e: {  	s25 =	sadd.s32 $0x1, s25  }
0x6f: {  	p0 =	sne.s32 s25, s4  }
.Ltmp1:
0x70: {  	_ = 	snop;
	(pc) =	sbr.rel @p0 .LBB2_1-.Ltmp1, $1  }
0x71: {  	_ =	sdelay $0x3  }
0x72: {  	_ =	sfence.sel $0x180000  }
0x73: {  	[bflag:$0x0] =	sbarrier.arrive $0xFFFF  }
0x74: {  	p0 =	sne.s32 s1, $0x0;
	_ =	strace $0x9000004A  }
0x75: {  	s0 =	sadd.s32 @!p0 $0x100000, s0;
	[bflag:$0x2] =	sbarrier.arrive $0xFFFF  }
0x76: {  	[sflag:s0] =	ssyncadd.tile.s32 @!p0 $0x1;
	_ =	shalt  }
.Lfunc_end2:
_tile_overlayer_lowered:
.L_overlay_start_2:
0x77: {  	(tag) =	ssettag $0x2  }
0x78: {  	s0 =	rddreg [dreg:$0x0];
	s2 =	stileid.u32  }
0x79: {  	s1 =	rddreg [dreg:$0x1];
	p0 =	sne.s32 s2, $0x0  }
0x7a: {  	s3 =	rddreg [dreg:$0x2];
	[bflag:$0x3] =	sbarrier.arrive $0xFFFF;
	s2 =	simm.s32 @!p0 $0x1C02  }
0x7b: {  	[timem:s3], [sflag:s2] =	dma.local @!p0 [hbm:s0], s1  }
0x7c: {  	s0 =	simm.s32 @!p0 $0x2  }
0x7d: {  	_ =	swait.ge @!p0 [sflag:s0], s1  }
0x7e: {  	s1 =	ssub.s32 @!p0 $0x0, s1;
	[sflag:s0] =	ssyncset.done @!p0 $0x0  }
0x7f: {  	[sflag:s0] =	ssyncadd.s32 @!p0 s1  }
0x80: {  	[bflag:$0x3] =	sbarrier.arrive $0xFFFF  }
0x81: {  	_ =	shalt  }

</sc_bundles>
